<compile_context>
chip_gen: v7x
topology: tpu7x:2x2x1
jax: 0.10.2.dev20260603
libtpu: 0.0.44.dev20260713+nightly
codegen_flags: <defaults>
</compile_context>

<pallas_src>
import functools

import jax
import jax.numpy as jnp
from jax import lax
from jax.experimental import pallas as pl
from jax.experimental.pallas import tpu as pltpu
from jax.experimental.pallas import tpu_sc as plsc

N_NODES = 10000
N_EDGES = 320000
D_IN = 128
D_HID = 128
N_CLS = 4

NC = 2
NS = 16
NW = NC * NS
E_PER_W = N_EDGES // NW
CHUNK = 80
N_CHUNKS = E_PER_W // CHUNK
STRIPE = 624
TAIL = N_NODES - STRIPE * NS
CW = 16

_MESH = plsc.VectorSubcoreMesh(
    core_axis_name="c", subcore_axis_name="s", num_cores=NC, num_subcores=NS)


def _tile_ids():
    c = lax.axis_index("c")
    s = lax.axis_index("s")
    return c, s, c * NS + s


@functools.partial(
    pl.kernel,
    out_type=jax.ShapeDtypeStruct((NC, N_NODES, D_IN), jnp.float32),
    mesh=_MESH,
    scratch_types=[
        pltpu.VMEM((CHUNK,), jnp.int32),
        pltpu.VMEM((CHUNK,), jnp.int32),
        pltpu.VMEM((CHUNK, D_IN), jnp.float32),
        pltpu.VMEM((CHUNK,), jnp.int32),
        pltpu.VMEM((CHUNK,), jnp.int32),
        pltpu.VMEM((CHUNK, D_IN), jnp.float32),
        pltpu.VMEM_SHARED((N_NODES, D_IN), jnp.float32),
        pltpu.SemaphoreType.DMA,
        pltpu.SemaphoreType.DMA,
    ],
)
def _agg(feat_hbm, src_hbm, dst_hbm, zeros_hbm, sum_hbm,
         src_a, dst_a, rows_a, src_b, dst_b, rows_b, acc, sem_a, sem_b):
    c, s, wid = _tile_ids()
    base = pl.multiple_of(wid * E_PER_W, 8)
    stripe = pl.multiple_of(s * STRIPE, 8)
    pltpu.sync_copy(zeros_hbm.at[pl.ds(0, STRIPE), :],
                    acc.at[pl.ds(stripe, STRIPE), :])

    @pl.when(s == NS - 1)
    def _zero_tail():
        pltpu.sync_copy(zeros_hbm.at[pl.ds(0, TAIL), :],
                        acc.at[pl.ds(STRIPE * NS, TAIL), :])

    plsc.subcore_barrier()

    pltpu.sync_copy(src_hbm.at[pl.ds(base, CHUNK)], src_a)
    pltpu.sync_copy(dst_hbm.at[pl.ds(base, CHUNK)], dst_a)
    pltpu.async_copy(feat_hbm.at[src_a], rows_a, sem_a)

    def body(j, carry):
        off_b = pl.multiple_of(base + (2 * j + 1) * CHUNK, 8)
        pltpu.sync_copy(src_hbm.at[pl.ds(off_b, CHUNK)], src_b)
        pltpu.sync_copy(dst_hbm.at[pl.ds(off_b, CHUNK)], dst_b)
        pltpu.async_copy(feat_hbm.at[src_b], rows_b, sem_b)
        pltpu.make_async_copy(feat_hbm.at[src_a], rows_a, sem_a).wait()
        pltpu.sync_copy(rows_a, acc.at[dst_a], add=True)
        off_a = pl.multiple_of(base + (2 * j + 2) * CHUNK, 8)
        pltpu.sync_copy(src_hbm.at[pl.ds(off_a, CHUNK)], src_a)
        pltpu.sync_copy(dst_hbm.at[pl.ds(off_a, CHUNK)], dst_a)
        pltpu.async_copy(feat_hbm.at[src_a], rows_a, sem_a)
        pltpu.make_async_copy(feat_hbm.at[src_b], rows_b, sem_b).wait()
        pltpu.sync_copy(rows_b, acc.at[dst_b], add=True)
        return carry

    lax.fori_loop(0, (N_CHUNKS - 1) // 2, body, 0)
    pltpu.make_async_copy(feat_hbm.at[src_a], rows_a, sem_a).wait()
    pltpu.sync_copy(rows_a, acc.at[dst_a], add=True)
    plsc.subcore_barrier()
    pltpu.sync_copy(acc.at[pl.ds(stripe, STRIPE), :],
                    sum_hbm.at[c, pl.ds(stripe, STRIPE), :])

    @pl.when(s == NS - 1)
    def _copy_tail():
        pltpu.sync_copy(acc.at[pl.ds(STRIPE * NS, TAIL), :],
                        sum_hbm.at[c, pl.ds(STRIPE * NS, TAIL), :])


@functools.partial(
    pl.kernel,
    out_type=jax.ShapeDtypeStruct((NC, N_NODES, D_IN), jnp.float32),
    mesh=_MESH,
    scratch_types=[
        pltpu.VMEM((CHUNK,), jnp.int32),
        pltpu.VMEM((CHUNK,), jnp.int32),
        pltpu.VMEM((CHUNK, D_IN), jnp.float32),
        pltpu.VMEM_SHARED((N_NODES, D_IN), jnp.float32),
        pltpu.SemaphoreType.DMA,
        pltpu.SemaphoreType.DMA,
    ],
)
def _cnt(dst_hbm, zeros_hbm, ones_hbm, cnt_hbm, dst_a, dst_b, ones_v, acc,
         sem_a, sem_b):
    c, s, wid = _tile_ids()
    base = pl.multiple_of(wid * E_PER_W, 8)
    stripe = pl.multiple_of(s * STRIPE, 8)
    pltpu.sync_copy(zeros_hbm.at[pl.ds(0, STRIPE), :],
                    acc.at[pl.ds(stripe, STRIPE), :])

    @pl.when(s == NS - 1)
    def _zero_tail():
        pltpu.sync_copy(zeros_hbm.at[pl.ds(0, TAIL), :],
                        acc.at[pl.ds(STRIPE * NS, TAIL), :])

    pltpu.sync_copy(ones_hbm, ones_v)
    plsc.subcore_barrier()

    pltpu.sync_copy(dst_hbm.at[pl.ds(base, CHUNK)], dst_a)
    pltpu.async_copy(ones_v, acc.at[dst_a], add=True, sem=sem_a)

    def body(j, carry):
        off_b = pl.multiple_of(base + (2 * j + 1) * CHUNK, 8)
        pltpu.sync_copy(dst_hbm.at[pl.ds(off_b, CHUNK)], dst_b)
        pltpu.async_copy(ones_v, acc.at[dst_b], add=True, sem=sem_b)
        pltpu.make_async_copy(ones_v, acc.at[dst_a], sem_a).wait()
        off_a = pl.multiple_of(base + (2 * j + 2) * CHUNK, 8)
        pltpu.sync_copy(dst_hbm.at[pl.ds(off_a, CHUNK)], dst_a)
        pltpu.async_copy(ones_v, acc.at[dst_a], add=True, sem=sem_a)
        pltpu.make_async_copy(ones_v, acc.at[dst_b], sem_b).wait()
        return carry

    lax.fori_loop(0, (N_CHUNKS - 1) // 2, body, 0)
    pltpu.make_async_copy(ones_v, acc.at[dst_a], sem_a).wait()
    plsc.subcore_barrier()
    pltpu.sync_copy(acc.at[pl.ds(stripe, STRIPE), :],
                    cnt_hbm.at[c, pl.ds(stripe, STRIPE), :])

    @pl.when(s == NS - 1)
    def _copy_tail():
        pltpu.sync_copy(acc.at[pl.ds(STRIPE * NS, TAIL), :],
                        cnt_hbm.at[c, pl.ds(STRIPE * NS, TAIL), :])


def _dense1_body(sum_ref, cnt_ref, x_ref, w1l_ref, w1r_ref, b1_ref, w2_ref,
                 b2_ref, out_ref):
    cnt = jnp.maximum(cnt_ref[0, :, :1] + cnt_ref[1, :, :1], 1.0)
    mean = (sum_ref[0] + sum_ref[1]) / cnt
    h = jnp.maximum(
        jnp.dot(mean, w1l_ref[...], preferred_element_type=jnp.float32)
        + jnp.dot(x_ref[...], w1r_ref[...], preferred_element_type=jnp.float32)
        + b1_ref[...], 0.0)
    out_ref[...] = (
        jnp.dot(h, w2_ref[...], preferred_element_type=jnp.float32)
        + b2_ref[...])


def _dense2_body(seg_ref, cnt_ref, r2_ref, out_ref):
    cnt = jnp.maximum(cnt_ref[...], 1.0)
    out_ref[...] = (seg_ref[0] + seg_ref[1]) / cnt + r2_ref[...]


_BLK = 400


def kernel(x, edge_index, W1_l, W1_r, b1, W2_l, W2_r, b2):
    src = edge_index[0].astype(jnp.int32)
    dst = edge_index[1].astype(jnp.int32)
    zeros128 = jnp.zeros((STRIPE, D_IN), jnp.float32)
    ones128 = jnp.ones((CHUNK, D_IN), jnp.float32)

    cnt1 = _cnt(dst, zeros128, ones128)
    sum1 = _agg(x, src, dst, zeros128)

    w2 = jnp.zeros((D_HID, 128), jnp.float32)
    w2 = w2.at[:, :N_CLS].set(W2_l).at[:, CW:CW + N_CLS].set(W2_r)
    b2p = jnp.zeros((1, 128), jnp.float32).at[0, CW:CW + N_CLS].set(b2)
    proj = pl.pallas_call(
        _dense1_body,
        grid=(N_NODES // _BLK,),
        in_specs=[
            pl.BlockSpec((NC, _BLK, D_IN), lambda i: (0, i, 0)),
            pl.BlockSpec((NC, _BLK, D_IN), lambda i: (0, i, 0)),
            pl.BlockSpec((_BLK, D_IN), lambda i: (i, 0)),
            pl.BlockSpec((D_IN, D_HID), lambda i: (0, 0)),
            pl.BlockSpec((D_IN, D_HID), lambda i: (0, 0)),
            pl.BlockSpec((1, D_HID), lambda i: (0, 0)),
            pl.BlockSpec((D_HID, 128), lambda i: (0, 0)),
            pl.BlockSpec((1, 128), lambda i: (0, 0)),
        ],
        out_specs=pl.BlockSpec((_BLK, 128), lambda i: (i, 0)),
        out_shape=jax.ShapeDtypeStruct((N_NODES, 128), jnp.float32),
    )(sum1, cnt1, x, W1_l, W1_r, b1.reshape(1, D_HID), w2, b2p)

    seg2f = _agg(proj, src, dst, zeros128)

    n128 = N_NODES * CW // 128
    seg2 = seg2f[:, :, :CW].reshape(NC, n128, 128)
    cntv = cnt1[0, :, 0] + cnt1[1, :, 0]
    cnt128 = jnp.broadcast_to(cntv[:, None], (N_NODES, CW)).reshape(n128, 128)
    r2 = proj[:, CW:2 * CW].reshape(n128, 128)
    out16 = pl.pallas_call(
        _dense2_body,
        grid=(pl.cdiv(n128, _BLK),),
        in_specs=[
            pl.BlockSpec((NC, _BLK, 128), lambda i: (0, i, 0)),
            pl.BlockSpec((_BLK, 128), lambda i: (i, 0)),
            pl.BlockSpec((_BLK, 128), lambda i: (i, 0)),
        ],
        out_specs=pl.BlockSpec((_BLK, 128), lambda i: (i, 0)),
        out_shape=jax.ShapeDtypeStruct((n128, 128), jnp.float32),
    )(seg2, cnt128, r2)

    return out16.reshape(N_NODES, CW)[:, :N_CLS]

# --- scband reference (transcript-rebuilt; emitter-appended) ---
"""Pipeline reference for scband-text-graph-sage-29583734734918 (READ-ONLY COPY).

The authoritative reference and input builder live on the scoring server;
editing this copy changes nothing except your own understanding.
"""

import jax, jax.numpy as jnp
import numpy as np

N_NODES = 10000
N_EDGES = 320000
D_IN = 128
D_HID = 128
N_CLS = 4


def setup_inputs(seed: int = 0) -> dict:
    key = jax.random.key(seed)
    ks = jax.random.split(key, 9)
    x = jax.random.normal(ks[0], (N_NODES, D_IN), dtype=jnp.float32)
    edge_index = jax.random.randint(ks[1], (2, N_EDGES), 0, N_NODES, dtype=jnp.int64)
    # SAGEConv layer 1 params (lin_l applied to aggregated neighbors, lin_r to root)
    s1 = 1.0 / np.sqrt(D_IN)
    W1_l = jax.random.uniform(ks[2], (D_IN, D_HID), minval=-s1, maxval=s1, dtype=jnp.float32)
    W1_r = jax.random.uniform(ks[3], (D_IN, D_HID), minval=-s1, maxval=s1, dtype=jnp.float32)
    b1 = jax.random.uniform(ks[4], (D_HID,), minval=-s1, maxval=s1, dtype=jnp.float32)
    s2 = 1.0 / np.sqrt(D_HID)
    W2_l = jax.random.uniform(ks[5], (D_HID, N_CLS), minval=-s2, maxval=s2, dtype=jnp.float32)
    W2_r = jax.random.uniform(ks[6], (D_HID, N_CLS), minval=-s2, maxval=s2, dtype=jnp.float32)
    b2 = jax.random.uniform(ks[7], (N_CLS,), minval=-s2, maxval=s2, dtype=jnp.float32)
    return {"x": x, "edge_index": edge_index, "W1_l": W1_l, "W1_r": W1_r, "b1": b1,
            "W2_l": W2_l, "W2_r": W2_r, "b2": b2}


def _sage_conv(x, edge_index, W_l, W_r, b):
    src = edge_index[0]
    dst = edge_index[1]
    n = x.shape[0]
    msgs = jnp.take(x, src, axis=0)                                  # gather source features
    summed = jax.ops.segment_sum(msgs, dst, num_segments=n)          # scatter-add by dst
    cnt = jax.ops.segment_sum(jnp.ones((msgs.shape[0], 1), x.dtype), dst, num_segments=n)
    mean_aggr = summed / jnp.clip(cnt, 1.0, None)                    # mean aggregation
    return mean_aggr @ W_l + x @ W_r + b


def reference(x, edge_index, W1_l, W1_r, b1, W2_l, W2_r, b2):
    h = jax.nn.relu(_sage_conv(x, edge_index, W1_l, W1_r, b1))
    out = _sage_conv(h, edge_index, W2_l, W2_r, b2)
    return out

if __name__ == "__main__":
    import jax
    _d = setup_inputs()
    print(jax.jit(kernel)(*tuple(_d.values())))

</pallas_src>

<mosaic_0001>
#map = affine_map<(d0, d1) -> (0)>
#map1 = affine_map<(d0, d1) -> (0, 0)>
#map2 = affine_map<(d0, d1) -> (0, 0, 0)>
module attributes {stable_mosaic.version = 14 : i64} {
  func.func @_cnt(%arg0: i32, %arg1: i32, %arg2: memref<320000xi32, #tpu.memory_space<hbm>>, %arg3: memref<624x128xf32, #tpu.memory_space<hbm>>, %arg4: memref<80x128xf32, #tpu.memory_space<hbm>>, %arg5: memref<2x10000x128xf32, #tpu.memory_space<hbm>>, %arg6: memref<80xi32, #tpu.memory_space<vmem>>, %arg7: memref<80xi32, #tpu.memory_space<vmem>>, %arg8: memref<80x128xf32, #tpu.memory_space<vmem>>, %arg9: memref<10000x128xf32, #tpu.memory_space<vmem_shared>>, %arg10: memref<!tpu.dma_semaphore, #tpu.memory_space<semaphore_mem>>, %arg11: memref<!tpu.dma_semaphore, #tpu.memory_space<semaphore_mem>>) attributes {dimension_semantics = [#tpu.dimension_semantics<core_parallel>, #tpu.dimension_semantics<subcore_parallel>], iteration_bounds = array<i64: 2, 16>, scalar_prefetch = 0 : i64, scratch_operands = 6 : i64, tpu.core_type = #tpu.core_type<sc_vector_subcore>, window_params = [{transform_indices = #map}, {transform_indices = #map1}, {transform_indices = #map1}, {transform_indices = #map2}]} {
    %mul3A = arith.constant 16 : i32
    %mul3A_0 = arith.muli %arg0, %mul3A : i32
    %add3A = arith.addi %mul3A_0, %arg1 : i32
    %mul3A_1 = arith.constant 10000 : i32
    %mul3A_2 = arith.muli %add3A, %mul3A_1 : i32
    %multiple_of3A = tpu.assume_multiple %mul3A_2, 8 : i32
    %mul3A_3 = arith.constant 624 : i32
    %mul3A_4 = arith.muli %arg1, %mul3A_3 : i32
    %multiple_of3A_5 = tpu.assume_multiple %mul3A_4, 8 : i32
    "tpu.region"() ({
      %run_scoped3A = tpu.sem_alloc : memref<!tpu.dma_semaphore, #tpu.memory_space<semaphore_mem>>
      %dma_start3A_23 = arith.constant 0 : i32
      %dma_start3A_24 = tpu.memref_slice %arg9[%multiple_of3A_5, %dma_start3A_23] : memref<10000x128xf32, #tpu.memory_space<vmem_shared>> -> memref<624x128xf32, #tpu.memory_space<vmem_shared>>
      %dma_start3A_25 = arith.constant 0 : i32
      %dma_start3A_26 = arith.constant 0 : i32
      %dma_start3A_27 = tpu.memref_slice %arg3[%dma_start3A_25, %dma_start3A_26] : memref<624x128xf32, #tpu.memory_space<hbm>> -> memref<624x128xf32, #tpu.memory_space<hbm>>
      tpu.enqueue_dma source(%dma_start3A_27 : memref<624x128xf32, #tpu.memory_space<hbm>>) target(%dma_start3A_24 : memref<624x128xf32, #tpu.memory_space<vmem_shared>>) target_semaphore(%run_scoped3A : memref<!tpu.dma_semaphore, #tpu.memory_space<semaphore_mem>>)
      %dma_wait3A_28 = arith.constant 0 : i32
      %dma_wait3A_29 = tpu.memref_slice %arg9[%multiple_of3A_5, %dma_wait3A_28] : memref<10000x128xf32, #tpu.memory_space<vmem_shared>> -> memref<624x128xf32, #tpu.memory_space<vmem_shared>>
      %dma_wait3A_30 = arith.constant 0 : i32
      %dma_wait3A_31 = arith.constant 0 : i32
      %dma_wait3A_32 = tpu.memref_slice %arg3[%dma_wait3A_30, %dma_wait3A_31] : memref<624x128xf32, #tpu.memory_space<hbm>> -> memref<624x128xf32, #tpu.memory_space<hbm>>
      tpu.wait_dma2 semaphore(%run_scoped3A : memref<!tpu.dma_semaphore, #tpu.memory_space<semaphore_mem>>) src(%dma_wait3A_32 : memref<624x128xf32, #tpu.memory_space<hbm>>) dst(%dma_wait3A_29 : memref<624x128xf32, #tpu.memory_space<vmem_shared>>)
      tpu.yield
    }) : () -> ()
    %eq3A = arith.constant 15 : i32
    %eq3A_6 = arith.cmpi eq, %arg1, %eq3A : i32
    %convert_element_type3A = arith.extui %eq3A_6 : i1 to i32
    %cond3A = arith.constant 0 : i32
    %cond3A_7 = arith.cmpi ne, %convert_element_type3A, %cond3A : i32
    scf.if %cond3A_7 {
      "tpu.region"() ({
        %run_scoped3A = tpu.sem_alloc : memref<!tpu.dma_semaphore, #tpu.memory_space<semaphore_mem>>
        %dma_start3A_23 = arith.constant 9984 : i32
        %dma_start3A_24 = arith.constant 0 : i32
        %dma_start3A_25 = tpu.memref_slice %arg9[%dma_start3A_23, %dma_start3A_24] : memref<10000x128xf32, #tpu.memory_space<vmem_shared>> -> memref<16x128xf32, #tpu.memory_space<vmem_shared>>
        %dma_start3A_26 = arith.constant 0 : i32
        %dma_start3A_27 = arith.constant 0 : i32
        %dma_start3A_28 = tpu.memref_slice %arg3[%dma_start3A_26, %dma_start3A_27] : memref<624x128xf32, #tpu.memory_space<hbm>> -> memref<16x128xf32, #tpu.memory_space<hbm>>
        tpu.enqueue_dma source(%dma_start3A_28 : memref<16x128xf32, #tpu.memory_space<hbm>>) target(%dma_start3A_25 : memref<16x128xf32, #tpu.memory_space<vmem_shared>>) target_semaphore(%run_scoped3A : memref<!tpu.dma_semaphore, #tpu.memory_space<semaphore_mem>>)
        %dma_wait3A_29 = arith.constant 9984 : i32
        %dma_wait3A_30 = arith.constant 0 : i32
        %dma_wait3A_31 = tpu.memref_slice %arg9[%dma_wait3A_29, %dma_wait3A_30] : memref<10000x128xf32, #tpu.memory_space<vmem_shared>> -> memref<16x128xf32, #tpu.memory_space<vmem_shared>>
        %dma_wait3A_32 = arith.constant 0 : i32
        %dma_wait3A_33 = arith.constant 0 : i32
        %dma_wait3A_34 = tpu.memref_slice %arg3[%dma_wait3A_32, %dma_wait3A_33] : memref<624x128xf32, #tpu.memory_space<hbm>> -> memref<16x128xf32, #tpu.memory_space<hbm>>
        tpu.wait_dma2 semaphore(%run_scoped3A : memref<!tpu.dma_semaphore, #tpu.memory_space<semaphore_mem>>) src(%dma_wait3A_34 : memref<16x128xf32, #tpu.memory_space<hbm>>) dst(%dma_wait3A_31 : memref<16x128xf32, #tpu.memory_space<vmem_shared>>)
        tpu.yield
      }) : () -> ()
    } else {
    }
    "tpu.region"() ({
      %run_scoped3A = tpu.sem_alloc : memref<!tpu.dma_semaphore, #tpu.memory_space<semaphore_mem>>
      tpu.enqueue_dma source(%arg4 : memref<80x128xf32, #tpu.memory_space<hbm>>) target(%arg8 : memref<80x128xf32, #tpu.memory_space<vmem>>) target_semaphore(%run_scoped3A : memref<!tpu.dma_semaphore, #tpu.memory_space<semaphore_mem>>)
      tpu.wait_dma2 semaphore(%run_scoped3A : memref<!tpu.dma_semaphore, #tpu.memory_space<semaphore_mem>>) src(%arg4 : memref<80x128xf32, #tpu.memory_space<hbm>>) dst(%arg8 : memref<80x128xf32, #tpu.memory_space<vmem>>)
      tpu.yield
    }) : () -> ()
    %barrier3A = arith.constant 0 : index
    tpu.barrier barrier_id(%barrier3A)
    "tpu.region"() ({
      %run_scoped3A = tpu.sem_alloc : memref<!tpu.dma_semaphore, #tpu.memory_space<semaphore_mem>>
      %dma_start3A_23 = tpu.memref_slice %arg2[%multiple_of3A] : memref<320000xi32, #tpu.memory_space<hbm>> -> memref<80xi32, #tpu.memory_space<hbm>>
      %dma_start3A_24 = tpu.memref_slice %arg2[%multiple_of3A] : memref<320000xi32, #tpu.memory_space<hbm>> -> memref<80xi32, #tpu.memory_space<hbm>>
      tpu.enqueue_dma source(%dma_start3A_24 : memref<80xi32, #tpu.memory_space<hbm>>) target(%arg6 : memref<80xi32, #tpu.memory_space<vmem>>) target_semaphore(%run_scoped3A : memref<!tpu.dma_semaphore, #tpu.memory_space<semaphore_mem>>)
      %dma_wait3A_25 = tpu.memref_slice %arg2[%multiple_of3A] : memref<320000xi32, #tpu.memory_space<hbm>> -> memref<80xi32, #tpu.memory_space<hbm>>
      %dma_wait3A_26 = tpu.memref_slice %arg2[%multiple_of3A] : memref<320000xi32, #tpu.memory_space<hbm>> -> memref<80xi32, #tpu.memory_space<hbm>>
      tpu.wait_dma2 semaphore(%run_scoped3A : memref<!tpu.dma_semaphore, #tpu.memory_space<semaphore_mem>>) src(%dma_wait3A_26 : memref<80xi32, #tpu.memory_space<hbm>>) dst(%arg6 : memref<80xi32, #tpu.memory_space<vmem>>)
      tpu.yield
    }) : () -> ()
    %dma_start3A = arith.constant 0 : i32
    %dma_start3A_8 = arith.constant 0 : i32
    %dma_start3A_9 = tpu.memref_slice %arg9[%dma_start3A, %dma_start3A_8] : memref<10000x128xf32, #tpu.memory_space<vmem_shared>> -> memref<10000x128xf32, #tpu.memory_space<vmem_shared>>
    tpu.enqueue_indirect_dma source(%arg8 : memref<80x128xf32, #tpu.memory_space<vmem>>) target(%dma_start3A_9 : memref<10000x128xf32, #tpu.memory_space<vmem_shared>>) offsets(%arg6 : memref<80xi32, #tpu.memory_space<vmem>>) semaphore(%arg10 : memref<!tpu.dma_semaphore, #tpu.memory_space<semaphore_mem>>) {add = true}
    %scan3A = arith.constant 0 : i32
    %scan3A_10 = arith.constant 0 : i32
    %scan3A_11 = arith.constant 62 : i32
    %scan3A_12 = arith.addi %scan3A_10, %scan3A_11 : i32
    %scan3A_13 = arith.constant 1 : i32
    scf.for %scan3A_23 = %scan3A_10 to %scan3A_12 step %scan3A_13  : i32 {
      %mul3A_24 = arith.constant 2 : i32
      %mul3A_25 = arith.muli %mul3A_24, %scan3A_23 : i32
      %add3A_26 = arith.constant 1 : i32
      %add3A_27 = arith.addi %mul3A_25, %add3A_26 : i32
      %mul3A_28 = arith.constant 80 : i32
      %mul3A_29 = arith.muli %add3A_27, %mul3A_28 : i32
      %add3A_30 = arith.addi %multiple_of3A, %mul3A_29 : i32
      %multiple_of3A_31 = tpu.assume_multiple %add3A_30, 8 : i32
      "tpu.region"() ({
        %run_scoped3A = tpu.sem_alloc : memref<!tpu.dma_semaphore, #tpu.memory_space<semaphore_mem>>
        %dma_start3A_52 = tpu.memref_slice %arg2[%multiple_of3A_31] : memref<320000xi32, #tpu.memory_space<hbm>> -> memref<80xi32, #tpu.memory_space<hbm>>
        %dma_start3A_53 = tpu.memref_slice %arg2[%multiple_of3A_31] : memref<320000xi32, #tpu.memory_space<hbm>> -> memref<80xi32, #tpu.memory_space<hbm>>
        tpu.enqueue_dma source(%dma_start3A_53 : memref<80xi32, #tpu.memory_space<hbm>>) target(%arg7 : memref<80xi32, #tpu.memory_space<vmem>>) target_semaphore(%run_scoped3A : memref<!tpu.dma_semaphore, #tpu.memory_space<semaphore_mem>>)
        %dma_wait3A_54 = tpu.memref_slice %arg2[%multiple_of3A_31] : memref<320000xi32, #tpu.memory_space<hbm>> -> memref<80xi32, #tpu.memory_space<hbm>>
        %dma_wait3A_55 = tpu.memref_slice %arg2[%multiple_of3A_31] : memref<320000xi32, #tpu.memory_space<hbm>> -> memref<80xi32, #tpu.memory_space<hbm>>
        tpu.wait_dma2 semaphore(%run_scoped3A : memref<!tpu.dma_semaphore, #tpu.memory_space<semaphore_mem>>) src(%dma_wait3A_55 : memref<80xi32, #tpu.memory_space<hbm>>) dst(%arg7 : memref<80xi32, #tpu.memory_space<vmem>>)
        tpu.yield
      }) : () -> ()
      %dma_start3A_32 = arith.constant 0 : i32
      %dma_start3A_33 = arith.constant 0 : i32
      %dma_start3A_34 = tpu.memref_slice %arg9[%dma_start3A_32, %dma_start3A_33] : memref<10000x128xf32, #tpu.memory_space<vmem_shared>> -> memref<10000x128xf32, #tpu.memory_space<vmem_shared>>
      tpu.enqueue_indirect_dma source(%arg8 : memref<80x128xf32, #tpu.memory_space<vmem>>) target(%dma_start3A_34 : memref<10000x128xf32, #tpu.memory_space<vmem_shared>>) offsets(%arg7 : memref<80xi32, #tpu.memory_space<vmem>>) semaphore(%arg11 : memref<!tpu.dma_semaphore, #tpu.memory_space<semaphore_mem>>) {add = true}
      %dma_wait3A_35 = arith.constant 0 : i32
      %dma_wait3A_36 = arith.constant 0 : i32
      %dma_wait3A_37 = tpu.memref_slice %arg9[%dma_wait3A_35, %dma_wait3A_36] : memref<10000x128xf32, #tpu.memory_space<vmem_shared>> -> memref<10000x128xf32, #tpu.memory_space<vmem_shared>>
      tpu.wait_indirect_dma semaphore(%arg10 : memref<!tpu.dma_semaphore, #tpu.memory_space<semaphore_mem>>) src(%arg8 : memref<80x128xf32, #tpu.memory_space<vmem>>) dst(%dma_wait3A_37 : memref<10000x128xf32, #tpu.memory_space<vmem_shared>>)
      %mul3A_38 = arith.constant 2 : i32
      %mul3A_39 = arith.muli %mul3A_38, %scan3A_23 : i32
      %add3A_40 = arith.constant 2 : i32
      %add3A_41 = arith.addi %mul3A_39, %add3A_40 : i32
      %mul3A_42 = arith.constant 80 : i32
      %mul3A_43 = arith.muli %add3A_41, %mul3A_42 : i32
      %add3A_44 = arith.addi %multiple_of3A, %mul3A_43 : i32
      %multiple_of3A_45 = tpu.assume_multiple %add3A_44, 8 : i32
      "tpu.region"() ({
        %run_scoped3A = tpu.sem_alloc : memref<!tpu.dma_semaphore, #tpu.memory_space<semaphore_mem>>
        %dma_start3A_52 = tpu.memref_slice %arg2[%multiple_of3A_45] : memref<320000xi32, #tpu.memory_space<hbm>> -> memref<80xi32, #tpu.memory_space<hbm>>
        %dma_start3A_53 = tpu.memref_slice %arg2[%multiple_of3A_45] : memref<320000xi32, #tpu.memory_space<hbm>> -> memref<80xi32, #tpu.memory_space<hbm>>
        tpu.enqueue_dma source(%dma_start3A_53 : memref<80xi32, #tpu.memory_space<hbm>>) target(%arg6 : memref<80xi32, #tpu.memory_space<vmem>>) target_semaphore(%run_scoped3A : memref<!tpu.dma_semaphore, #tpu.memory_space<semaphore_mem>>)
        %dma_wait3A_54 = tpu.memref_slice %arg2[%multiple_of3A_45] : memref<320000xi32, #tpu.memory_space<hbm>> -> memref<80xi32, #tpu.memory_space<hbm>>
        %dma_wait3A_55 = tpu.memref_slice %arg2[%multiple_of3A_45] : memref<320000xi32, #tpu.memory_space<hbm>> -> memref<80xi32, #tpu.memory_space<hbm>>
        tpu.wait_dma2 semaphore(%run_scoped3A : memref<!tpu.dma_semaphore, #tpu.memory_space<semaphore_mem>>) src(%dma_wait3A_55 : memref<80xi32, #tpu.memory_space<hbm>>) dst(%arg6 : memref<80xi32, #tpu.memory_space<vmem>>)
        tpu.yield
      }) : () -> ()
      %dma_start3A_46 = arith.constant 0 : i32
      %dma_start3A_47 = arith.constant 0 : i32
      %dma_start3A_48 = tpu.memref_slice %arg9[%dma_start3A_46, %dma_start3A_47] : memref<10000x128xf32, #tpu.memory_space<vmem_shared>> -> memref<10000x128xf32, #tpu.memory_space<vmem_shared>>
      tpu.enqueue_indirect_dma source(%arg8 : memref<80x128xf32, #tpu.memory_space<vmem>>) target(%dma_start3A_48 : memref<10000x128xf32, #tpu.memory_space<vmem_shared>>) offsets(%arg6 : memref<80xi32, #tpu.memory_space<vmem>>) semaphore(%arg10 : memref<!tpu.dma_semaphore, #tpu.memory_space<semaphore_mem>>) {add = true}
      %dma_wait3A_49 = arith.constant 0 : i32
      %dma_wait3A_50 = arith.constant 0 : i32
      %dma_wait3A_51 = tpu.memref_slice %arg9[%dma_wait3A_49, %dma_wait3A_50] : memref<10000x128xf32, #tpu.memory_space<vmem_shared>> -> memref<10000x128xf32, #tpu.memory_space<vmem_shared>>
      tpu.wait_indirect_dma semaphore(%arg11 : memref<!tpu.dma_semaphore, #tpu.memory_space<semaphore_mem>>) src(%arg8 : memref<80x128xf32, #tpu.memory_space<vmem>>) dst(%dma_wait3A_51 : memref<10000x128xf32, #tpu.memory_space<vmem_shared>>)
    }
    %scan3A_14 = arith.constant 62 : i32
    %dma_wait3A = arith.constant 0 : i32
    %dma_wait3A_15 = arith.constant 0 : i32
    %dma_wait3A_16 = tpu.memref_slice %arg9[%dma_wait3A, %dma_wait3A_15] : memref<10000x128xf32, #tpu.memory_space<vmem_shared>> -> memref<10000x128xf32, #tpu.memory_space<vmem_shared>>
    tpu.wait_indirect_dma semaphore(%arg10 : memref<!tpu.dma_semaphore, #tpu.memory_space<semaphore_mem>>) src(%arg8 : memref<80x128xf32, #tpu.memory_space<vmem>>) dst(%dma_wait3A_16 : memref<10000x128xf32, #tpu.memory_space<vmem_shared>>)
    %barrier3A_17 = arith.constant 0 : index
    tpu.barrier barrier_id(%barrier3A_17)
    "tpu.region"() ({
      %run_scoped3A = tpu.sem_alloc : memref<!tpu.dma_semaphore, #tpu.memory_space<semaphore_mem>>
      %dma_start3A_23 = arith.constant 0 : i32
      %dma_start3A_24 = tpu.memref_slice %arg5[%arg0, %multiple_of3A_5, %dma_start3A_23] : memref<2x10000x128xf32, #tpu.memory_space<hbm>> -> memref<1x624x128xf32, #tpu.memory_space<hbm>>
      %dma_start3A_25 = tpu.memref_squeeze %dma_start3A_24 : memref<1x624x128xf32, #tpu.memory_space<hbm>> -> memref<624x128xf32, #tpu.memory_space<hbm>>
      %dma_start3A_26 = arith.constant 0 : i32
      %dma_start3A_27 = tpu.memref_slice %arg9[%multiple_of3A_5, %dma_start3A_26] : memref<10000x128xf32, #tpu.memory_space<vmem_shared>> -> memref<624x128xf32, #tpu.memory_space<vmem_shared>>
      tpu.enqueue_dma source(%dma_start3A_27 : memref<624x128xf32, #tpu.memory_space<vmem_shared>>) target(%dma_start3A_25 : memref<624x128xf32, #tpu.memory_space<hbm>>) target_semaphore(%run_scoped3A : memref<!tpu.dma_semaphore, #tpu.memory_space<semaphore_mem>>)
      %dma_wait3A_28 = arith.constant 0 : i32
      %dma_wait3A_29 = tpu.memref_slice %arg5[%arg0, %multiple_of3A_5, %dma_wait3A_28] : memref<2x10000x128xf32, #tpu.memory_space<hbm>> -> memref<1x624x128xf32, #tpu.memory_space<hbm>>
      %dma_wait3A_30 = tpu.memref_squeeze %dma_wait3A_29 : memref<1x624x128xf32, #tpu.memory_space<hbm>> -> memref<624x128xf32, #tpu.memory_space<hbm>>
      %dma_wait3A_31 = arith.constant 0 : i32
      %dma_wait3A_32 = tpu.memref_slice %arg9[%multiple_of3A_5, %dma_wait3A_31] : memref<10000x128xf32, #tpu.memory_space<vmem_shared>> -> memref<624x128xf32, #tpu.memory_space<vmem_shared>>
      tpu.wait_dma2 semaphore(%run_scoped3A : memref<!tpu.dma_semaphore, #tpu.memory_space<semaphore_mem>>) src(%dma_wait3A_32 : memref<624x128xf32, #tpu.memory_space<vmem_shared>>) dst(%dma_wait3A_30 : memref<624x128xf32, #tpu.memory_space<hbm>>)
      tpu.yield
    }) : () -> ()
    %eq3A_18 = arith.constant 15 : i32
    %eq3A_19 = arith.cmpi eq, %arg1, %eq3A_18 : i32
    %convert_element_type3A_20 = arith.extui %eq3A_19 : i1 to i32
    %cond3A_21 = arith.constant 0 : i32
    %cond3A_22 = arith.cmpi ne, %convert_element_type3A_20, %cond3A_21 : i32
    scf.if %cond3A_22 {
      "tpu.region"() ({
        %run_scoped3A = tpu.sem_alloc : memref<!tpu.dma_semaphore, #tpu.memory_space<semaphore_mem>>
        %dma_start3A_23 = arith.constant 9984 : i32
        %dma_start3A_24 = arith.constant 0 : i32
        %dma_start3A_25 = tpu.memref_slice %arg5[%arg0, %dma_start3A_23, %dma_start3A_24] : memref<2x10000x128xf32, #tpu.memory_space<hbm>> -> memref<1x16x128xf32, #tpu.memory_space<hbm>>
        %dma_start3A_26 = tpu.memref_squeeze %dma_start3A_25 : memref<1x16x128xf32, #tpu.memory_space<hbm>> -> memref<16x128xf32, #tpu.memory_space<hbm>>
        %dma_start3A_27 = arith.constant 9984 : i32
        %dma_start3A_28 = arith.constant 0 : i32
        %dma_start3A_29 = tpu.memref_slice %arg9[%dma_start3A_27, %dma_start3A_28] : memref<10000x128xf32, #tpu.memory_space<vmem_shared>> -> memref<16x128xf32, #tpu.memory_space<vmem_shared>>
        tpu.enqueue_dma source(%dma_start3A_29 : memref<16x128xf32, #tpu.memory_space<vmem_shared>>) target(%dma_start3A_26 : memref<16x128xf32, #tpu.memory_space<hbm>>) target_semaphore(%run_scoped3A : memref<!tpu.dma_semaphore, #tpu.memory_space<semaphore_mem>>)
        %dma_wait3A_30 = arith.constant 9984 : i32
        %dma_wait3A_31 = arith.constant 0 : i32
        %dma_wait3A_32 = tpu.memref_slice %arg5[%arg0, %dma_wait3A_30, %dma_wait3A_31] : memref<2x10000x128xf32, #tpu.memory_space<hbm>> -> memref<1x16x128xf32, #tpu.memory_space<hbm>>
        %dma_wait3A_33 = tpu.memref_squeeze %dma_wait3A_32 : memref<1x16x128xf32, #tpu.memory_space<hbm>> -> memref<16x128xf32, #tpu.memory_space<hbm>>
        %dma_wait3A_34 = arith.constant 9984 : i32
        %dma_wait3A_35 = arith.constant 0 : i32
        %dma_wait3A_36 = tpu.memref_slice %arg9[%dma_wait3A_34, %dma_wait3A_35] : memref<10000x128xf32, #tpu.memory_space<vmem_shared>> -> memref<16x128xf32, #tpu.memory_space<vmem_shared>>
        tpu.wait_dma2 semaphore(%run_scoped3A : memref<!tpu.dma_semaphore, #tpu.memory_space<semaphore_mem>>) src(%dma_wait3A_36 : memref<16x128xf32, #tpu.memory_space<vmem_shared>>) dst(%dma_wait3A_33 : memref<16x128xf32, #tpu.memory_space<hbm>>)
        tpu.yield
      }) : () -> ()
    } else {
    }
    return
  }
}

#map = affine_map<(d0, d1) -> (0, 0)>
#map1 = affine_map<(d0, d1) -> (0)>
#map2 = affine_map<(d0, d1) -> (0, 0, 0)>
module attributes {stable_mosaic.version = 14 : i64} {
  func.func @_agg(%arg0: i32, %arg1: i32, %arg2: memref<10000x128xf32, #tpu.memory_space<hbm>>, %arg3: memref<320000xi32, #tpu.memory_space<hbm>>, %arg4: memref<320000xi32, #tpu.memory_space<hbm>>, %arg5: memref<624x128xf32, #tpu.memory_space<hbm>>, %arg6: memref<2x10000x128xf32, #tpu.memory_space<hbm>>, %arg7: memref<80xi32, #tpu.memory_space<vmem>>, %arg8: memref<80xi32, #tpu.memory_space<vmem>>, %arg9: memref<80x128xf32, #tpu.memory_space<vmem>>, %arg10: memref<80xi32, #tpu.memory_space<vmem>>, %arg11: memref<80xi32, #tpu.memory_space<vmem>>, %arg12: memref<80x128xf32, #tpu.memory_space<vmem>>, %arg13: memref<10000x128xf32, #tpu.memory_space<vmem_shared>>, %arg14: memref<!tpu.dma_semaphore, #tpu.memory_space<semaphore_mem>>, %arg15: memref<!tpu.dma_semaphore, #tpu.memory_space<semaphore_mem>>) attributes {dimension_semantics = [#tpu.dimension_semantics<core_parallel>, #tpu.dimension_semantics<subcore_parallel>], iteration_bounds = array<i64: 2, 16>, scalar_prefetch = 0 : i64, scratch_operands = 9 : i64, tpu.core_type = #tpu.core_type<sc_vector_subcore>, window_params = [{transform_indices = #map}, {transform_indices = #map1}, {transform_indices = #map1}, {transform_indices = #map}, {transform_indices = #map2}]} {
    %mul3A = arith.constant 16 : i32
    %mul3A_0 = arith.muli %arg0, %mul3A : i32
    %add3A = arith.addi %mul3A_0, %arg1 : i32
    %mul3A_1 = arith.constant 10000 : i32
    %mul3A_2 = arith.muli %add3A, %mul3A_1 : i32
    %multiple_of3A = tpu.assume_multiple %mul3A_2, 8 : i32
    %mul3A_3 = arith.constant 624 : i32
    %mul3A_4 = arith.muli %arg1, %mul3A_3 : i32
    %multiple_of3A_5 = tpu.assume_multiple %mul3A_4, 8 : i32
    "tpu.region"() ({
      %run_scoped3A = tpu.sem_alloc : memref<!tpu.dma_semaphore, #tpu.memory_space<semaphore_mem>>
      %dma_start3A_23 = arith.constant 0 : i32
      %dma_start3A_24 = tpu.memref_slice %arg13[%multiple_of3A_5, %dma_start3A_23] : memref<10000x128xf32, #tpu.memory_space<vmem_shared>> -> memref<624x128xf32, #tpu.memory_space<vmem_shared>>
      %dma_start3A_25 = arith.constant 0 : i32
      %dma_start3A_26 = arith.constant 0 : i32
      %dma_start3A_27 = tpu.memref_slice %arg5[%dma_start3A_25, %dma_start3A_26] : memref<624x128xf32, #tpu.memory_space<hbm>> -> memref<624x128xf32, #tpu.memory_space<hbm>>
      tpu.enqueue_dma source(%dma_start3A_27 : memref<624x128xf32, #tpu.memory_space<hbm>>) target(%dma_start3A_24 : memref<624x128xf32, #tpu.memory_space<vmem_shared>>) target_semaphore(%run_scoped3A : memref<!tpu.dma_semaphore, #tpu.memory_space<semaphore_mem>>)
      %dma_wait3A_28 = arith.constant 0 : i32
      %dma_wait3A_29 = tpu.memref_slice %arg13[%multiple_of3A_5, %dma_wait3A_28] : memref<10000x128xf32, #tpu.memory_space<vmem_shared>> -> memref<624x128xf32, #tpu.memory_space<vmem_shared>>
      %dma_wait3A_30 = arith.constant 0 : i32
      %dma_wait3A_31 = arith.constant 0 : i32
      %dma_wait3A_32 = tpu.memref_slice %arg5[%dma_wait3A_30, %dma_wait3A_31] : memref<624x128xf32, #tpu.memory_space<hbm>> -> memref<624x128xf32, #tpu.memory_space<hbm>>
      tpu.wait_dma2 semaphore(%run_scoped3A : memref<!tpu.dma_semaphore, #tpu.memory_space<semaphore_mem>>) src(%dma_wait3A_32 : memref<624x128xf32, #tpu.memory_space<hbm>>) dst(%dma_wait3A_29 : memref<624x128xf32, #tpu.memory_space<vmem_shared>>)
      tpu.yield
    }) : () -> ()
    %eq3A = arith.constant 15 : i32
    %eq3A_6 = arith.cmpi eq, %arg1, %eq3A : i32
    %convert_element_type3A = arith.extui %eq3A_6 : i1 to i32
    %cond3A = arith.constant 0 : i32
    %cond3A_7 = arith.cmpi ne, %convert_element_type3A, %cond3A : i32
    scf.if %cond3A_7 {
      "tpu.region"() ({
        %run_scoped3A = tpu.sem_alloc : memref<!tpu.dma_semaphore, #tpu.memory_space<semaphore_mem>>
        %dma_start3A_23 = arith.constant 9984 : i32
        %dma_start3A_24 = arith.constant 0 : i32
        %dma_start3A_25 = tpu.memref_slice %arg13[%dma_start3A_23, %dma_start3A_24] : memref<10000x128xf32, #tpu.memory_space<vmem_shared>> -> memref<16x128xf32, #tpu.memory_space<vmem_shared>>
        %dma_start3A_26 = arith.constant 0 : i32
        %dma_start3A_27 = arith.constant 0 : i32
        %dma_start3A_28 = tpu.memref_slice %arg5[%dma_start3A_26, %dma_start3A_27] : memref<624x128xf32, #tpu.memory_space<hbm>> -> memref<16x128xf32, #tpu.memory_space<hbm>>
        tpu.enqueue_dma source(%dma_start3A_28 : memref<16x128xf32, #tpu.memory_space<hbm>>) target(%dma_start3A_25 : memref<16x128xf32, #tpu.memory_space<vmem_shared>>) target_semaphore(%run_scoped3A : memref<!tpu.dma_semaphore, #tpu.memory_space<semaphore_mem>>)
        %dma_wait3A_29 = arith.constant 9984 : i32
        %dma_wait3A_30 = arith.constant 0 : i32
        %dma_wait3A_31 = tpu.memref_slice %arg13[%dma_wait3A_29, %dma_wait3A_30] : memref<10000x128xf32, #tpu.memory_space<vmem_shared>> -> memref<16x128xf32, #tpu.memory_space<vmem_shared>>
        %dma_wait3A_32 = arith.constant 0 : i32
        %dma_wait3A_33 = arith.constant 0 : i32
        %dma_wait3A_34 = tpu.memref_slice %arg5[%dma_wait3A_32, %dma_wait3A_33] : memref<624x128xf32, #tpu.memory_space<hbm>> -> memref<16x128xf32, #tpu.memory_space<hbm>>
        tpu.wait_dma2 semaphore(%run_scoped3A : memref<!tpu.dma_semaphore, #tpu.memory_space<semaphore_mem>>) src(%dma_wait3A_34 : memref<16x128xf32, #tpu.memory_space<hbm>>) dst(%dma_wait3A_31 : memref<16x128xf32, #tpu.memory_space<vmem_shared>>)
        tpu.yield
      }) : () -> ()
    } else {
    }
    %barrier3A = arith.constant 0 : index
    tpu.barrier barrier_id(%barrier3A)
    "tpu.region"() ({
      %run_scoped3A = tpu.sem_alloc : memref<!tpu.dma_semaphore, #tpu.memory_space<semaphore_mem>>
      %dma_start3A_23 = tpu.memref_slice %arg3[%multiple_of3A] : memref<320000xi32, #tpu.memory_space<hbm>> -> memref<80xi32, #tpu.memory_space<hbm>>
      %dma_start3A_24 = tpu.memref_slice %arg3[%multiple_of3A] : memref<320000xi32, #tpu.memory_space<hbm>> -> memref<80xi32, #tpu.memory_space<hbm>>
      tpu.enqueue_dma source(%dma_start3A_24 : memref<80xi32, #tpu.memory_space<hbm>>) target(%arg7 : memref<80xi32, #tpu.memory_space<vmem>>) target_semaphore(%run_scoped3A : memref<!tpu.dma_semaphore, #tpu.memory_space<semaphore_mem>>)
      %dma_wait3A_25 = tpu.memref_slice %arg3[%multiple_of3A] : memref<320000xi32, #tpu.memory_space<hbm>> -> memref<80xi32, #tpu.memory_space<hbm>>
      %dma_wait3A_26 = tpu.memref_slice %arg3[%multiple_of3A] : memref<320000xi32, #tpu.memory_space<hbm>> -> memref<80xi32, #tpu.memory_space<hbm>>
      tpu.wait_dma2 semaphore(%run_scoped3A : memref<!tpu.dma_semaphore, #tpu.memory_space<semaphore_mem>>) src(%dma_wait3A_26 : memref<80xi32, #tpu.memory_space<hbm>>) dst(%arg7 : memref<80xi32, #tpu.memory_space<vmem>>)
      tpu.yield
    }) : () -> ()
    "tpu.region"() ({
      %run_scoped3A = tpu.sem_alloc : memref<!tpu.dma_semaphore, #tpu.memory_space<semaphore_mem>>
      %dma_start3A_23 = tpu.memref_slice %arg4[%multiple_of3A] : memref<320000xi32, #tpu.memory_space<hbm>> -> memref<80xi32, #tpu.memory_space<hbm>>
      %dma_start3A_24 = tpu.memref_slice %arg4[%multiple_of3A] : memref<320000xi32, #tpu.memory_space<hbm>> -> memref<80xi32, #tpu.memory_space<hbm>>
      tpu.enqueue_dma source(%dma_start3A_24 : memref<80xi32, #tpu.memory_space<hbm>>) target(%arg8 : memref<80xi32, #tpu.memory_space<vmem>>) target_semaphore(%run_scoped3A : memref<!tpu.dma_semaphore, #tpu.memory_space<semaphore_mem>>)
      %dma_wait3A_25 = tpu.memref_slice %arg4[%multiple_of3A] : memref<320000xi32, #tpu.memory_space<hbm>> -> memref<80xi32, #tpu.memory_space<hbm>>
      %dma_wait3A_26 = tpu.memref_slice %arg4[%multiple_of3A] : memref<320000xi32, #tpu.memory_space<hbm>> -> memref<80xi32, #tpu.memory_space<hbm>>
      tpu.wait_dma2 semaphore(%run_scoped3A : memref<!tpu.dma_semaphore, #tpu.memory_space<semaphore_mem>>) src(%dma_wait3A_26 : memref<80xi32, #tpu.memory_space<hbm>>) dst(%arg8 : memref<80xi32, #tpu.memory_space<vmem>>)
      tpu.yield
    }) : () -> ()
    %dma_start3A = arith.constant 0 : i32
    %dma_start3A_8 = arith.constant 0 : i32
    %dma_start3A_9 = tpu.memref_slice %arg2[%dma_start3A, %dma_start3A_8] : memref<10000x128xf32, #tpu.memory_space<hbm>> -> memref<10000x128xf32, #tpu.memory_space<hbm>>
    tpu.enqueue_indirect_dma source(%dma_start3A_9 : memref<10000x128xf32, #tpu.memory_space<hbm>>) target(%arg9 : memref<80x128xf32, #tpu.memory_space<vmem>>) offsets(%arg7 : memref<80xi32, #tpu.memory_space<vmem>>) semaphore(%arg14 : memref<!tpu.dma_semaphore, #tpu.memory_space<semaphore_mem>>)
    %scan3A = arith.constant 0 : i32
    %scan3A_10 = arith.constant 0 : i32
    %scan3A_11 = arith.constant 62 : i32
    %scan3A_12 = arith.addi %scan3A_10, %scan3A_11 : i32
    %scan3A_13 = arith.constant 1 : i32
    scf.for %scan3A_23 = %scan3A_10 to %scan3A_12 step %scan3A_13  : i32 {
      %mul3A_24 = arith.constant 2 : i32
      %mul3A_25 = arith.muli %mul3A_24, %scan3A_23 : i32
      %add3A_26 = arith.constant 1 : i32
      %add3A_27 = arith.addi %mul3A_25, %add3A_26 : i32
      %mul3A_28 = arith.constant 80 : i32
      %mul3A_29 = arith.muli %add3A_27, %mul3A_28 : i32
      %add3A_30 = arith.addi %multiple_of3A, %mul3A_29 : i32
      %multiple_of3A_31 = tpu.assume_multiple %add3A_30, 8 : i32
      "tpu.region"() ({
        %run_scoped3A = tpu.sem_alloc : memref<!tpu.dma_semaphore, #tpu.memory_space<semaphore_mem>>
        %dma_start3A_52 = tpu.memref_slice %arg3[%multiple_of3A_31] : memref<320000xi32, #tpu.memory_space<hbm>> -> memref<80xi32, #tpu.memory_space<hbm>>
        %dma_start3A_53 = tpu.memref_slice %arg3[%multiple_of3A_31] : memref<320000xi32, #tpu.memory_space<hbm>> -> memref<80xi32, #tpu.memory_space<hbm>>
        tpu.enqueue_dma source(%dma_start3A_53 : memref<80xi32, #tpu.memory_space<hbm>>) target(%arg10 : memref<80xi32, #tpu.memory_space<vmem>>) target_semaphore(%run_scoped3A : memref<!tpu.dma_semaphore, #tpu.memory_space<semaphore_mem>>)
        %dma_wait3A_54 = tpu.memref_slice %arg3[%multiple_of3A_31] : memref<320000xi32, #tpu.memory_space<hbm>> -> memref<80xi32, #tpu.memory_space<hbm>>
        %dma_wait3A_55 = tpu.memref_slice %arg3[%multiple_of3A_31] : memref<320000xi32, #tpu.memory_space<hbm>> -> memref<80xi32, #tpu.memory_space<hbm>>
        tpu.wait_dma2 semaphore(%run_scoped3A : memref<!tpu.dma_semaphore, #tpu.memory_space<semaphore_mem>>) src(%dma_wait3A_55 : memref<80xi32, #tpu.memory_space<hbm>>) dst(%arg10 : memref<80xi32, #tpu.memory_space<vmem>>)
        tpu.yield
      }) : () -> ()
      "tpu.region"() ({
        %run_scoped3A = tpu.sem_alloc : memref<!tpu.dma_semaphore, #tpu.memory_space<semaphore_mem>>
        %dma_start3A_52 = tpu.memref_slice %arg4[%multiple_of3A_31] : memref<320000xi32, #tpu.memory_space<hbm>> -> memref<80xi32, #tpu.memory_space<hbm>>
        %dma_start3A_53 = tpu.memref_slice %arg4[%multiple_of3A_31] : memref<320000xi32, #tpu.memory_space<hbm>> -> memref<80xi32, #tpu.memory_space<hbm>>
        tpu.enqueue_dma source(%dma_start3A_53 : memref<80xi32, #tpu.memory_space<hbm>>) target(%arg11 : memref<80xi32, #tpu.memory_space<vmem>>) target_semaphore(%run_scoped3A : memref<!tpu.dma_semaphore, #tpu.memory_space<semaphore_mem>>)
        %dma_wait3A_54 = tpu.memref_slice %arg4[%multiple_of3A_31] : memref<320000xi32, #tpu.memory_space<hbm>> -> memref<80xi32, #tpu.memory_space<hbm>>
        %dma_wait3A_55 = tpu.memref_slice %arg4[%multiple_of3A_31] : memref<320000xi32, #tpu.memory_space<hbm>> -> memref<80xi32, #tpu.memory_space<hbm>>
        tpu.wait_dma2 semaphore(%run_scoped3A : memref<!tpu.dma_semaphore, #tpu.memory_space<semaphore_mem>>) src(%dma_wait3A_55 : memref<80xi32, #tpu.memory_space<hbm>>) dst(%arg11 : memref<80xi32, #tpu.memory_space<vmem>>)
        tpu.yield
      }) : () -> ()
      %dma_start3A_32 = arith.constant 0 : i32
      %dma_start3A_33 = arith.constant 0 : i32
      %dma_start3A_34 = tpu.memref_slice %arg2[%dma_start3A_32, %dma_start3A_33] : memref<10000x128xf32, #tpu.memory_space<hbm>> -> memref<10000x128xf32, #tpu.memory_space<hbm>>
      tpu.enqueue_indirect_dma source(%dma_start3A_34 : memref<10000x128xf32, #tpu.memory_space<hbm>>) target(%arg12 : memref<80x128xf32, #tpu.memory_space<vmem>>) offsets(%arg10 : memref<80xi32, #tpu.memory_space<vmem>>) semaphore(%arg15 : memref<!tpu.dma_semaphore, #tpu.memory_space<semaphore_mem>>)
      %dma_wait3A_35 = arith.constant 0 : i32
      %dma_wait3A_36 = arith.constant 0 : i32
      %dma_wait3A_37 = tpu.memref_slice %arg2[%dma_wait3A_35, %dma_wait3A_36] : memref<10000x128xf32, #tpu.memory_space<hbm>> -> memref<10000x128xf32, #tpu.memory_space<hbm>>
      tpu.wait_indirect_dma semaphore(%arg14 : memref<!tpu.dma_semaphore, #tpu.memory_space<semaphore_mem>>) src(%dma_wait3A_37 : memref<10000x128xf32, #tpu.memory_space<hbm>>) dst(%arg9 : memref<80x128xf32, #tpu.memory_space<vmem>>)
      "tpu.region"() ({
        %run_scoped3A = tpu.sem_alloc : memref<!tpu.dma_semaphore, #tpu.memory_space<semaphore_mem>>
        %dma_start3A_52 = arith.constant 0 : i32
        %dma_start3A_53 = arith.constant 0 : i32
        %dma_start3A_54 = tpu.memref_slice %arg13[%dma_start3A_52, %dma_start3A_53] : memref<10000x128xf32, #tpu.memory_space<vmem_shared>> -> memref<10000x128xf32, #tpu.memory_space<vmem_shared>>
        tpu.enqueue_indirect_dma source(%arg9 : memref<80x128xf32, #tpu.memory_space<vmem>>) target(%dma_start3A_54 : memref<10000x128xf32, #tpu.memory_space<vmem_shared>>) offsets(%arg8 : memref<80xi32, #tpu.memory_space<vmem>>) semaphore(%run_scoped3A : memref<!tpu.dma_semaphore, #tpu.memory_space<semaphore_mem>>) {add = true}
        %dma_wait3A_55 = arith.constant 0 : i32
        %dma_wait3A_56 = arith.constant 0 : i32
        %dma_wait3A_57 = tpu.memref_slice %arg13[%dma_wait3A_55, %dma_wait3A_56] : memref<10000x128xf32, #tpu.memory_space<vmem_shared>> -> memref<10000x128xf32, #tpu.memory_space<vmem_shared>>
        tpu.wait_indirect_dma semaphore(%run_scoped3A : memref<!tpu.dma_semaphore, #tpu.memory_space<semaphore_mem>>) src(%arg9 : memref<80x128xf32, #tpu.memory_space<vmem>>) dst(%dma_wait3A_57 : memref<10000x128xf32, #tpu.memory_space<vmem_shared>>)
        tpu.yield
      }) : () -> ()
      %mul3A_38 = arith.constant 2 : i32
      %mul3A_39 = arith.muli %mul3A_38, %scan3A_23 : i32
      %add3A_40 = arith.constant 2 : i32
      %add3A_41 = arith.addi %mul3A_39, %add3A_40 : i32
      %mul3A_42 = arith.constant 80 : i32
      %mul3A_43 = arith.muli %add3A_41, %mul3A_42 : i32
      %add3A_44 = arith.addi %multiple_of3A, %mul3A_43 : i32
      %multiple_of3A_45 = tpu.assume_multiple %add3A_44, 8 : i32
      "tpu.region"() ({
        %run_scoped3A = tpu.sem_alloc : memref<!tpu.dma_semaphore, #tpu.memory_space<semaphore_mem>>
        %dma_start3A_52 = tpu.memref_slice %arg3[%multiple_of3A_45] : memref<320000xi32, #tpu.memory_space<hbm>> -> memref<80xi32, #tpu.memory_space<hbm>>
        %dma_start3A_53 = tpu.memref_slice %arg3[%multiple_of3A_45] : memref<320000xi32, #tpu.memory_space<hbm>> -> memref<80xi32, #tpu.memory_space<hbm>>
        tpu.enqueue_dma source(%dma_start3A_53 : memref<80xi32, #tpu.memory_space<hbm>>) target(%arg7 : memref<80xi32, #tpu.memory_space<vmem>>) target_semaphore(%run_scoped3A : memref<!tpu.dma_semaphore, #tpu.memory_space<semaphore_mem>>)
        %dma_wait3A_54 = tpu.memref_slice %arg3[%multiple_of3A_45] : memref<320000xi32, #tpu.memory_space<hbm>> -> memref<80xi32, #tpu.memory_space<hbm>>
        %dma_wait3A_55 = tpu.memref_slice %arg3[%multiple_of3A_45] : memref<320000xi32, #tpu.memory_space<hbm>> -> memref<80xi32, #tpu.memory_space<hbm>>
        tpu.wait_dma2 semaphore(%run_scoped3A : memref<!tpu.dma_semaphore, #tpu.memory_space<semaphore_mem>>) src(%dma_wait3A_55 : memref<80xi32, #tpu.memory_space<hbm>>) dst(%arg7 : memref<80xi32, #tpu.memory_space<vmem>>)
        tpu.yield
      }) : () -> ()
      "tpu.region"() ({
        %run_scoped3A = tpu.sem_alloc : memref<!tpu.dma_semaphore, #tpu.memory_space<semaphore_mem>>
        %dma_start3A_52 = tpu.memref_slice %arg4[%multiple_of3A_45] : memref<320000xi32, #tpu.memory_space<hbm>> -> memref<80xi32, #tpu.memory_space<hbm>>
        %dma_start3A_53 = tpu.memref_slice %arg4[%multiple_of3A_45] : memref<320000xi32, #tpu.memory_space<hbm>> -> memref<80xi32, #tpu.memory_space<hbm>>
        tpu.enqueue_dma source(%dma_start3A_53 : memref<80xi32, #tpu.memory_space<hbm>>) target(%arg8 : memref<80xi32, #tpu.memory_space<vmem>>) target_semaphore(%run_scoped3A : memref<!tpu.dma_semaphore, #tpu.memory_space<semaphore_mem>>)
        %dma_wait3A_54 = tpu.memref_slice %arg4[%multiple_of3A_45] : memref<320000xi32, #tpu.memory_space<hbm>> -> memref<80xi32, #tpu.memory_space<hbm>>
        %dma_wait3A_55 = tpu.memref_slice %arg4[%multiple_of3A_45] : memref<320000xi32, #tpu.memory_space<hbm>> -> memref<80xi32, #tpu.memory_space<hbm>>
        tpu.wait_dma2 semaphore(%run_scoped3A : memref<!tpu.dma_semaphore, #tpu.memory_space<semaphore_mem>>) src(%dma_wait3A_55 : memref<80xi32, #tpu.memory_space<hbm>>) dst(%arg8 : memref<80xi32, #tpu.memory_space<vmem>>)
        tpu.yield
      }) : () -> ()
      %dma_start3A_46 = arith.constant 0 : i32
      %dma_start3A_47 = arith.constant 0 : i32
      %dma_start3A_48 = tpu.memref_slice %arg2[%dma_start3A_46, %dma_start3A_47] : memref<10000x128xf32, #tpu.memory_space<hbm>> -> memref<10000x128xf32, #tpu.memory_space<hbm>>
      tpu.enqueue_indirect_dma source(%dma_start3A_48 : memref<10000x128xf32, #tpu.memory_space<hbm>>) target(%arg9 : memref<80x128xf32, #tpu.memory_space<vmem>>) offsets(%arg7 : memref<80xi32, #tpu.memory_space<vmem>>) semaphore(%arg14 : memref<!tpu.dma_semaphore, #tpu.memory_space<semaphore_mem>>)
      %dma_wait3A_49 = arith.constant 0 : i32
      %dma_wait3A_50 = arith.constant 0 : i32
      %dma_wait3A_51 = tpu.memref_slice %arg2[%dma_wait3A_49, %dma_wait3A_50] : memref<10000x128xf32, #tpu.memory_space<hbm>> -> memref<10000x128xf32, #tpu.memory_space<hbm>>
      tpu.wait_indirect_dma semaphore(%arg15 : memref<!tpu.dma_semaphore, #tpu.memory_space<semaphore_mem>>) src(%dma_wait3A_51 : memref<10000x128xf32, #tpu.memory_space<hbm>>) dst(%arg12 : memref<80x128xf32, #tpu.memory_space<vmem>>)
      "tpu.region"() ({
        %run_scoped3A = tpu.sem_alloc : memref<!tpu.dma_semaphore, #tpu.memory_space<semaphore_mem>>
        %dma_start3A_52 = arith.constant 0 : i32
        %dma_start3A_53 = arith.constant 0 : i32
        %dma_start3A_54 = tpu.memref_slice %arg13[%dma_start3A_52, %dma_start3A_53] : memref<10000x128xf32, #tpu.memory_space<vmem_shared>> -> memref<10000x128xf32, #tpu.memory_space<vmem_shared>>
        tpu.enqueue_indirect_dma source(%arg12 : memref<80x128xf32, #tpu.memory_space<vmem>>) target(%dma_start3A_54 : memref<10000x128xf32, #tpu.memory_space<vmem_shared>>) offsets(%arg11 : memref<80xi32, #tpu.memory_space<vmem>>) semaphore(%run_scoped3A : memref<!tpu.dma_semaphore, #tpu.memory_space<semaphore_mem>>) {add = true}
        %dma_wait3A_55 = arith.constant 0 : i32
        %dma_wait3A_56 = arith.constant 0 : i32
        %dma_wait3A_57 = tpu.memref_slice %arg13[%dma_wait3A_55, %dma_wait3A_56] : memref<10000x128xf32, #tpu.memory_space<vmem_shared>> -> memref<10000x128xf32, #tpu.memory_space<vmem_shared>>
        tpu.wait_indirect_dma semaphore(%run_scoped3A : memref<!tpu.dma_semaphore, #tpu.memory_space<semaphore_mem>>) src(%arg12 : memref<80x128xf32, #tpu.memory_space<vmem>>) dst(%dma_wait3A_57 : memref<10000x128xf32, #tpu.memory_space<vmem_shared>>)
        tpu.yield
      }) : () -> ()
    }
    %scan3A_14 = arith.constant 62 : i32
    %dma_wait3A = arith.constant 0 : i32
    %dma_wait3A_15 = arith.constant 0 : i32
    %dma_wait3A_16 = tpu.memref_slice %arg2[%dma_wait3A, %dma_wait3A_15] : memref<10000x128xf32, #tpu.memory_space<hbm>> -> memref<10000x128xf32, #tpu.memory_space<hbm>>
    tpu.wait_indirect_dma semaphore(%arg14 : memref<!tpu.dma_semaphore, #tpu.memory_space<semaphore_mem>>) src(%dma_wait3A_16 : memref<10000x128xf32, #tpu.memory_space<hbm>>) dst(%arg9 : memref<80x128xf32, #tpu.memory_space<vmem>>)
    "tpu.region"() ({
      %run_scoped3A = tpu.sem_alloc : memref<!tpu.dma_semaphore, #tpu.memory_space<semaphore_mem>>
      %dma_start3A_23 = arith.constant 0 : i32
      %dma_start3A_24 = arith.constant 0 : i32
      %dma_start3A_25 = tpu.memref_slice %arg13[%dma_start3A_23, %dma_start3A_24] : memref<10000x128xf32, #tpu.memory_space<vmem_shared>> -> memref<10000x128xf32, #tpu.memory_space<vmem_shared>>
      tpu.enqueue_indirect_dma source(%arg9 : memref<80x128xf32, #tpu.memory_space<vmem>>) target(%dma_start3A_25 : memref<10000x128xf32, #tpu.memory_space<vmem_shared>>) offsets(%arg8 : memref<80xi32, #tpu.memory_space<vmem>>) semaphore(%run_scoped3A : memref<!tpu.dma_semaphore, #tpu.memory_space<semaphore_mem>>) {add = true}
      %dma_wait3A_26 = arith.constant 0 : i32
      %dma_wait3A_27 = arith.constant 0 : i32
      %dma_wait3A_28 = tpu.memref_slice %arg13[%dma_wait3A_26, %dma_wait3A_27] : memref<10000x128xf32, #tpu.memory_space<vmem_shared>> -> memref<10000x128xf32, #tpu.memory_space<vmem_shared>>
      tpu.wait_indirect_dma semaphore(%run_scoped3A : memref<!tpu.dma_semaphore, #tpu.memory_space<semaphore_mem>>) src(%arg9 : memref<80x128xf32, #tpu.memory_space<vmem>>) dst(%dma_wait3A_28 : memref<10000x128xf32, #tpu.memory_space<vmem_shared>>)
      tpu.yield
    }) : () -> ()
    %barrier3A_17 = arith.constant 0 : index
    tpu.barrier barrier_id(%barrier3A_17)
    "tpu.region"() ({
      %run_scoped3A = tpu.sem_alloc : memref<!tpu.dma_semaphore, #tpu.memory_space<semaphore_mem>>
      %dma_start3A_23 = arith.constant 0 : i32
      %dma_start3A_24 = tpu.memref_slice %arg6[%arg0, %multiple_of3A_5, %dma_start3A_23] : memref<2x10000x128xf32, #tpu.memory_space<hbm>> -> memref<1x624x128xf32, #tpu.memory_space<hbm>>
      %dma_start3A_25 = tpu.memref_squeeze %dma_start3A_24 : memref<1x624x128xf32, #tpu.memory_space<hbm>> -> memref<624x128xf32, #tpu.memory_space<hbm>>
      %dma_start3A_26 = arith.constant 0 : i32
      %dma_start3A_27 = tpu.memref_slice %arg13[%multiple_of3A_5, %dma_start3A_26] : memref<10000x128xf32, #tpu.memory_space<vmem_shared>> -> memref<624x128xf32, #tpu.memory_space<vmem_shared>>
      tpu.enqueue_dma source(%dma_start3A_27 : memref<624x128xf32, #tpu.memory_space<vmem_shared>>) target(%dma_start3A_25 : memref<624x128xf32, #tpu.memory_space<hbm>>) target_semaphore(%run_scoped3A : memref<!tpu.dma_semaphore, #tpu.memory_space<semaphore_mem>>)
      %dma_wait3A_28 = arith.constant 0 : i32
      %dma_wait3A_29 = tpu.memref_slice %arg6[%arg0, %multiple_of3A_5, %dma_wait3A_28] : memref<2x10000x128xf32, #tpu.memory_space<hbm>> -> memref<1x624x128xf32, #tpu.memory_space<hbm>>
      %dma_wait3A_30 = tpu.memref_squeeze %dma_wait3A_29 : memref<1x624x128xf32, #tpu.memory_space<hbm>> -> memref<624x128xf32, #tpu.memory_space<hbm>>
      %dma_wait3A_31 = arith.constant 0 : i32
      %dma_wait3A_32 = tpu.memref_slice %arg13[%multiple_of3A_5, %dma_wait3A_31] : memref<10000x128xf32, #tpu.memory_space<vmem_shared>> -> memref<624x128xf32, #tpu.memory_space<vmem_shared>>
      tpu.wait_dma2 semaphore(%run_scoped3A : memref<!tpu.dma_semaphore, #tpu.memory_space<semaphore_mem>>) src(%dma_wait3A_32 : memref<624x128xf32, #tpu.memory_space<vmem_shared>>) dst(%dma_wait3A_30 : memref<624x128xf32, #tpu.memory_space<hbm>>)
      tpu.yield
    }) : () -> ()
    %eq3A_18 = arith.constant 15 : i32
    %eq3A_19 = arith.cmpi eq, %arg1, %eq3A_18 : i32
    %convert_element_type3A_20 = arith.extui %eq3A_19 : i1 to i32
    %cond3A_21 = arith.constant 0 : i32
    %cond3A_22 = arith.cmpi ne, %convert_element_type3A_20, %cond3A_21 : i32
    scf.if %cond3A_22 {
      "tpu.region"() ({
        %run_scoped3A = tpu.sem_alloc : memref<!tpu.dma_semaphore, #tpu.memory_space<semaphore_mem>>
        %dma_start3A_23 = arith.constant 9984 : i32
        %dma_start3A_24 = arith.constant 0 : i32
        %dma_start3A_25 = tpu.memref_slice %arg6[%arg0, %dma_start3A_23, %dma_start3A_24] : memref<2x10000x128xf32, #tpu.memory_space<hbm>> -> memref<1x16x128xf32, #tpu.memory_space<hbm>>
        %dma_start3A_26 = tpu.memref_squeeze %dma_start3A_25 : memref<1x16x128xf32, #tpu.memory_space<hbm>> -> memref<16x128xf32, #tpu.memory_space<hbm>>
        %dma_start3A_27 = arith.constant 9984 : i32
        %dma_start3A_28 = arith.constant 0 : i32
        %dma_start3A_29 = tpu.memref_slice %arg13[%dma_start3A_27, %dma_start3A_28] : memref<10000x128xf32, #tpu.memory_space<vmem_shared>> -> memref<16x128xf32, #tpu.memory_space<vmem_shared>>
        tpu.enqueue_dma source(%dma_start3A_29 : memref<16x128xf32, #tpu.memory_space<vmem_shared>>) target(%dma_start3A_26 : memref<16x128xf32, #tpu.memory_space<hbm>>) target_semaphore(%run_scoped3A : memref<!tpu.dma_semaphore, #tpu.memory_space<semaphore_mem>>)
        %dma_wait3A_30 = arith.constant 9984 : i32
        %dma_wait3A_31 = arith.constant 0 : i32
        %dma_wait3A_32 = tpu.memref_slice %arg6[%arg0, %dma_wait3A_30, %dma_wait3A_31] : memref<2x10000x128xf32, #tpu.memory_space<hbm>> -> memref<1x16x128xf32, #tpu.memory_space<hbm>>
        %dma_wait3A_33 = tpu.memref_squeeze %dma_wait3A_32 : memref<1x16x128xf32, #tpu.memory_space<hbm>> -> memref<16x128xf32, #tpu.memory_space<hbm>>
        %dma_wait3A_34 = arith.constant 9984 : i32
        %dma_wait3A_35 = arith.constant 0 : i32
        %dma_wait3A_36 = tpu.memref_slice %arg13[%dma_wait3A_34, %dma_wait3A_35] : memref<10000x128xf32, #tpu.memory_space<vmem_shared>> -> memref<16x128xf32, #tpu.memory_space<vmem_shared>>
        tpu.wait_dma2 semaphore(%run_scoped3A : memref<!tpu.dma_semaphore, #tpu.memory_space<semaphore_mem>>) src(%dma_wait3A_36 : memref<16x128xf32, #tpu.memory_space<vmem_shared>>) dst(%dma_wait3A_33 : memref<16x128xf32, #tpu.memory_space<hbm>>)
        tpu.yield
      }) : () -> ()
    } else {
    }
    return
  }
}

#map = affine_map<(d0, d1) -> (0, 0)>
#map1 = affine_map<(d0, d1) -> (0)>
#map2 = affine_map<(d0, d1) -> (0, 0, 0)>
module attributes {stable_mosaic.version = 14 : i64} {
  func.func @_agg(%arg0: i32, %arg1: i32, %arg2: memref<10000x128xf32, #tpu.memory_space<hbm>>, %arg3: memref<320000xi32, #tpu.memory_space<hbm>>, %arg4: memref<320000xi32, #tpu.memory_space<hbm>>, %arg5: memref<624x128xf32, #tpu.memory_space<hbm>>, %arg6: memref<2x10000x128xf32, #tpu.memory_space<hbm>>, %arg7: memref<80xi32, #tpu.memory_space<vmem>>, %arg8: memref<80xi32, #tpu.memory_space<vmem>>, %arg9: memref<80x128xf32, #tpu.memory_space<vmem>>, %arg10: memref<80xi32, #tpu.memory_space<vmem>>, %arg11: memref<80xi32, #tpu.memory_space<vmem>>, %arg12: memref<80x128xf32, #tpu.memory_space<vmem>>, %arg13: memref<10000x128xf32, #tpu.memory_space<vmem_shared>>, %arg14: memref<!tpu.dma_semaphore, #tpu.memory_space<semaphore_mem>>, %arg15: memref<!tpu.dma_semaphore, #tpu.memory_space<semaphore_mem>>) attributes {dimension_semantics = [#tpu.dimension_semantics<core_parallel>, #tpu.dimension_semantics<subcore_parallel>], iteration_bounds = array<i64: 2, 16>, scalar_prefetch = 0 : i64, scratch_operands = 9 : i64, tpu.core_type = #tpu.core_type<sc_vector_subcore>, window_params = [{transform_indices = #map}, {transform_indices = #map1}, {transform_indices = #map1}, {transform_indices = #map}, {transform_indices = #map2}]} {
    %mul3A = arith.constant 16 : i32
    %mul3A_0 = arith.muli %arg0, %mul3A : i32
    %add3A = arith.addi %mul3A_0, %arg1 : i32
    %mul3A_1 = arith.constant 10000 : i32
    %mul3A_2 = arith.muli %add3A, %mul3A_1 : i32
    %multiple_of3A = tpu.assume_multiple %mul3A_2, 8 : i32
    %mul3A_3 = arith.constant 624 : i32
    %mul3A_4 = arith.muli %arg1, %mul3A_3 : i32
    %multiple_of3A_5 = tpu.assume_multiple %mul3A_4, 8 : i32
    "tpu.region"() ({
      %run_scoped3A = tpu.sem_alloc : memref<!tpu.dma_semaphore, #tpu.memory_space<semaphore_mem>>
      %dma_start3A_23 = arith.constant 0 : i32
      %dma_start3A_24 = tpu.memref_slice %arg13[%multiple_of3A_5, %dma_start3A_23] : memref<10000x128xf32, #tpu.memory_space<vmem_shared>> -> memref<624x128xf32, #tpu.memory_space<vmem_shared>>
      %dma_start3A_25 = arith.constant 0 : i32
      %dma_start3A_26 = arith.constant 0 : i32
      %dma_start3A_27 = tpu.memref_slice %arg5[%dma_start3A_25, %dma_start3A_26] : memref<624x128xf32, #tpu.memory_space<hbm>> -> memref<624x128xf32, #tpu.memory_space<hbm>>
      tpu.enqueue_dma source(%dma_start3A_27 : memref<624x128xf32, #tpu.memory_space<hbm>>) target(%dma_start3A_24 : memref<624x128xf32, #tpu.memory_space<vmem_shared>>) target_semaphore(%run_scoped3A : memref<!tpu.dma_semaphore, #tpu.memory_space<semaphore_mem>>)
      %dma_wait3A_28 = arith.constant 0 : i32
      %dma_wait3A_29 = tpu.memref_slice %arg13[%multiple_of3A_5, %dma_wait3A_28] : memref<10000x128xf32, #tpu.memory_space<vmem_shared>> -> memref<624x128xf32, #tpu.memory_space<vmem_shared>>
      %dma_wait3A_30 = arith.constant 0 : i32
      %dma_wait3A_31 = arith.constant 0 : i32
      %dma_wait3A_32 = tpu.memref_slice %arg5[%dma_wait3A_30, %dma_wait3A_31] : memref<624x128xf32, #tpu.memory_space<hbm>> -> memref<624x128xf32, #tpu.memory_space<hbm>>
      tpu.wait_dma2 semaphore(%run_scoped3A : memref<!tpu.dma_semaphore, #tpu.memory_space<semaphore_mem>>) src(%dma_wait3A_32 : memref<624x128xf32, #tpu.memory_space<hbm>>) dst(%dma_wait3A_29 : memref<624x128xf32, #tpu.memory_space<vmem_shared>>)
      tpu.yield
    }) : () -> ()
    %eq3A = arith.constant 15 : i32
    %eq3A_6 = arith.cmpi eq, %arg1, %eq3A : i32
    %convert_element_type3A = arith.extui %eq3A_6 : i1 to i32
    %cond3A = arith.constant 0 : i32
    %cond3A_7 = arith.cmpi ne, %convert_element_type3A, %cond3A : i32
    scf.if %cond3A_7 {
      "tpu.region"() ({
        %run_scoped3A = tpu.sem_alloc : memref<!tpu.dma_semaphore, #tpu.memory_space<semaphore_mem>>
        %dma_start3A_23 = arith.constant 9984 : i32
        %dma_start3A_24 = arith.constant 0 : i32
        %dma_start3A_25 = tpu.memref_slice %arg13[%dma_start3A_23, %dma_start3A_24] : memref<10000x128xf32, #tpu.memory_space<vmem_shared>> -> memref<16x128xf32, #tpu.memory_space<vmem_shared>>
        %dma_start3A_26 = arith.constant 0 : i32
        %dma_start3A_27 = arith.constant 0 : i32
        %dma_start3A_28 = tpu.memref_slice %arg5[%dma_start3A_26, %dma_start3A_27] : memref<624x128xf32, #tpu.memory_space<hbm>> -> memref<16x128xf32, #tpu.memory_space<hbm>>
        tpu.enqueue_dma source(%dma_start3A_28 : memref<16x128xf32, #tpu.memory_space<hbm>>) target(%dma_start3A_25 : memref<16x128xf32, #tpu.memory_space<vmem_shared>>) target_semaphore(%run_scoped3A : memref<!tpu.dma_semaphore, #tpu.memory_space<semaphore_mem>>)
        %dma_wait3A_29 = arith.constant 9984 : i32
        %dma_wait3A_30 = arith.constant 0 : i32
        %dma_wait3A_31 = tpu.memref_slice %arg13[%dma_wait3A_29, %dma_wait3A_30] : memref<10000x128xf32, #tpu.memory_space<vmem_shared>> -> memref<16x128xf32, #tpu.memory_space<vmem_shared>>
        %dma_wait3A_32 = arith.constant 0 : i32
        %dma_wait3A_33 = arith.constant 0 : i32
        %dma_wait3A_34 = tpu.memref_slice %arg5[%dma_wait3A_32, %dma_wait3A_33] : memref<624x128xf32, #tpu.memory_space<hbm>> -> memref<16x128xf32, #tpu.memory_space<hbm>>
        tpu.wait_dma2 semaphore(%run_scoped3A : memref<!tpu.dma_semaphore, #tpu.memory_space<semaphore_mem>>) src(%dma_wait3A_34 : memref<16x128xf32, #tpu.memory_space<hbm>>) dst(%dma_wait3A_31 : memref<16x128xf32, #tpu.memory_space<vmem_shared>>)
        tpu.yield
      }) : () -> ()
    } else {
    }
    %barrier3A = arith.constant 0 : index
    tpu.barrier barrier_id(%barrier3A)
    "tpu.region"() ({
      %run_scoped3A = tpu.sem_alloc : memref<!tpu.dma_semaphore, #tpu.memory_space<semaphore_mem>>
      %dma_start3A_23 = tpu.memref_slice %arg3[%multiple_of3A] : memref<320000xi32, #tpu.memory_space<hbm>> -> memref<80xi32, #tpu.memory_space<hbm>>
      %dma_start3A_24 = tpu.memref_slice %arg3[%multiple_of3A] : memref<320000xi32, #tpu.memory_space<hbm>> -> memref<80xi32, #tpu.memory_space<hbm>>
      tpu.enqueue_dma source(%dma_start3A_24 : memref<80xi32, #tpu.memory_space<hbm>>) target(%arg7 : memref<80xi32, #tpu.memory_space<vmem>>) target_semaphore(%run_scoped3A : memref<!tpu.dma_semaphore, #tpu.memory_space<semaphore_mem>>)
      %dma_wait3A_25 = tpu.memref_slice %arg3[%multiple_of3A] : memref<320000xi32, #tpu.memory_space<hbm>> -> memref<80xi32, #tpu.memory_space<hbm>>
      %dma_wait3A_26 = tpu.memref_slice %arg3[%multiple_of3A] : memref<320000xi32, #tpu.memory_space<hbm>> -> memref<80xi32, #tpu.memory_space<hbm>>
      tpu.wait_dma2 semaphore(%run_scoped3A : memref<!tpu.dma_semaphore, #tpu.memory_space<semaphore_mem>>) src(%dma_wait3A_26 : memref<80xi32, #tpu.memory_space<hbm>>) dst(%arg7 : memref<80xi32, #tpu.memory_space<vmem>>)
      tpu.yield
    }) : () -> ()
    "tpu.region"() ({
      %run_scoped3A = tpu.sem_alloc : memref<!tpu.dma_semaphore, #tpu.memory_space<semaphore_mem>>
      %dma_start3A_23 = tpu.memref_slice %arg4[%multiple_of3A] : memref<320000xi32, #tpu.memory_space<hbm>> -> memref<80xi32, #tpu.memory_space<hbm>>
      %dma_start3A_24 = tpu.memref_slice %arg4[%multiple_of3A] : memref<320000xi32, #tpu.memory_space<hbm>> -> memref<80xi32, #tpu.memory_space<hbm>>
      tpu.enqueue_dma source(%dma_start3A_24 : memref<80xi32, #tpu.memory_space<hbm>>) target(%arg8 : memref<80xi32, #tpu.memory_space<vmem>>) target_semaphore(%run_scoped3A : memref<!tpu.dma_semaphore, #tpu.memory_space<semaphore_mem>>)
      %dma_wait3A_25 = tpu.memref_slice %arg4[%multiple_of3A] : memref<320000xi32, #tpu.memory_space<hbm>> -> memref<80xi32, #tpu.memory_space<hbm>>
      %dma_wait3A_26 = tpu.memref_slice %arg4[%multiple_of3A] : memref<320000xi32, #tpu.memory_space<hbm>> -> memref<80xi32, #tpu.memory_space<hbm>>
      tpu.wait_dma2 semaphore(%run_scoped3A : memref<!tpu.dma_semaphore, #tpu.memory_space<semaphore_mem>>) src(%dma_wait3A_26 : memref<80xi32, #tpu.memory_space<hbm>>) dst(%arg8 : memref<80xi32, #tpu.memory_space<vmem>>)
      tpu.yield
    }) : () -> ()
    %dma_start3A = arith.constant 0 : i32
    %dma_start3A_8 = arith.constant 0 : i32
    %dma_start3A_9 = tpu.memref_slice %arg2[%dma_start3A, %dma_start3A_8] : memref<10000x128xf32, #tpu.memory_space<hbm>> -> memref<10000x128xf32, #tpu.memory_space<hbm>>
    tpu.enqueue_indirect_dma source(%dma_start3A_9 : memref<10000x128xf32, #tpu.memory_space<hbm>>) target(%arg9 : memref<80x128xf32, #tpu.memory_space<vmem>>) offsets(%arg7 : memref<80xi32, #tpu.memory_space<vmem>>) semaphore(%arg14 : memref<!tpu.dma_semaphore, #tpu.memory_space<semaphore_mem>>)
    %scan3A = arith.constant 0 : i32
    %scan3A_10 = arith.constant 0 : i32
    %scan3A_11 = arith.constant 62 : i32
    %scan3A_12 = arith.addi %scan3A_10, %scan3A_11 : i32
    %scan3A_13 = arith.constant 1 : i32
    scf.for %scan3A_23 = %scan3A_10 to %scan3A_12 step %scan3A_13  : i32 {
      %mul3A_24 = arith.constant 2 : i32
      %mul3A_25 = arith.muli %mul3A_24, %scan3A_23 : i32
      %add3A_26 = arith.constant 1 : i32
      %add3A_27 = arith.addi %mul3A_25, %add3A_26 : i32
      %mul3A_28 = arith.constant 80 : i32
      %mul3A_29 = arith.muli %add3A_27, %mul3A_28 : i32
      %add3A_30 = arith.addi %multiple_of3A, %mul3A_29 : i32
      %multiple_of3A_31 = tpu.assume_multiple %add3A_30, 8 : i32
      "tpu.region"() ({
        %run_scoped3A = tpu.sem_alloc : memref<!tpu.dma_semaphore, #tpu.memory_space<semaphore_mem>>
        %dma_start3A_52 = tpu.memref_slice %arg3[%multiple_of3A_31] : memref<320000xi32, #tpu.memory_space<hbm>> -> memref<80xi32, #tpu.memory_space<hbm>>
        %dma_start3A_53 = tpu.memref_slice %arg3[%multiple_of3A_31] : memref<320000xi32, #tpu.memory_space<hbm>> -> memref<80xi32, #tpu.memory_space<hbm>>
        tpu.enqueue_dma source(%dma_start3A_53 : memref<80xi32, #tpu.memory_space<hbm>>) target(%arg10 : memref<80xi32, #tpu.memory_space<vmem>>) target_semaphore(%run_scoped3A : memref<!tpu.dma_semaphore, #tpu.memory_space<semaphore_mem>>)
        %dma_wait3A_54 = tpu.memref_slice %arg3[%multiple_of3A_31] : memref<320000xi32, #tpu.memory_space<hbm>> -> memref<80xi32, #tpu.memory_space<hbm>>
        %dma_wait3A_55 = tpu.memref_slice %arg3[%multiple_of3A_31] : memref<320000xi32, #tpu.memory_space<hbm>> -> memref<80xi32, #tpu.memory_space<hbm>>
        tpu.wait_dma2 semaphore(%run_scoped3A : memref<!tpu.dma_semaphore, #tpu.memory_space<semaphore_mem>>) src(%dma_wait3A_55 : memref<80xi32, #tpu.memory_space<hbm>>) dst(%arg10 : memref<80xi32, #tpu.memory_space<vmem>>)
        tpu.yield
      }) : () -> ()
      "tpu.region"() ({
        %run_scoped3A = tpu.sem_alloc : memref<!tpu.dma_semaphore, #tpu.memory_space<semaphore_mem>>
        %dma_start3A_52 = tpu.memref_slice %arg4[%multiple_of3A_31] : memref<320000xi32, #tpu.memory_space<hbm>> -> memref<80xi32, #tpu.memory_space<hbm>>
        %dma_start3A_53 = tpu.memref_slice %arg4[%multiple_of3A_31] : memref<320000xi32, #tpu.memory_space<hbm>> -> memref<80xi32, #tpu.memory_space<hbm>>
        tpu.enqueue_dma source(%dma_start3A_53 : memref<80xi32, #tpu.memory_space<hbm>>) target(%arg11 : memref<80xi32, #tpu.memory_space<vmem>>) target_semaphore(%run_scoped3A : memref<!tpu.dma_semaphore, #tpu.memory_space<semaphore_mem>>)
        %dma_wait3A_54 = tpu.memref_slice %arg4[%multiple_of3A_31] : memref<320000xi32, #tpu.memory_space<hbm>> -> memref<80xi32, #tpu.memory_space<hbm>>
        %dma_wait3A_55 = tpu.memref_slice %arg4[%multiple_of3A_31] : memref<320000xi32, #tpu.memory_space<hbm>> -> memref<80xi32, #tpu.memory_space<hbm>>
        tpu.wait_dma2 semaphore(%run_scoped3A : memref<!tpu.dma_semaphore, #tpu.memory_space<semaphore_mem>>) src(%dma_wait3A_55 : memref<80xi32, #tpu.memory_space<hbm>>) dst(%arg11 : memref<80xi32, #tpu.memory_space<vmem>>)
        tpu.yield
      }) : () -> ()
      %dma_start3A_32 = arith.constant 0 : i32
      %dma_start3A_33 = arith.constant 0 : i32
      %dma_start3A_34 = tpu.memref_slice %arg2[%dma_start3A_32, %dma_start3A_33] : memref<10000x128xf32, #tpu.memory_space<hbm>> -> memref<10000x128xf32, #tpu.memory_space<hbm>>
      tpu.enqueue_indirect_dma source(%dma_start3A_34 : memref<10000x128xf32, #tpu.memory_space<hbm>>) target(%arg12 : memref<80x128xf32, #tpu.memory_space<vmem>>) offsets(%arg10 : memref<80xi32, #tpu.memory_space<vmem>>) semaphore(%arg15 : memref<!tpu.dma_semaphore, #tpu.memory_space<semaphore_mem>>)
      %dma_wait3A_35 = arith.constant 0 : i32
      %dma_wait3A_36 = arith.constant 0 : i32
      %dma_wait3A_37 = tpu.memref_slice %arg2[%dma_wait3A_35, %dma_wait3A_36] : memref<10000x128xf32, #tpu.memory_space<hbm>> -> memref<10000x128xf32, #tpu.memory_space<hbm>>
      tpu.wait_indirect_dma semaphore(%arg14 : memref<!tpu.dma_semaphore, #tpu.memory_space<semaphore_mem>>) src(%dma_wait3A_37 : memref<10000x128xf32, #tpu.memory_space<hbm>>) dst(%arg9 : memref<80x128xf32, #tpu.memory_space<vmem>>)
      "tpu.region"() ({
        %run_scoped3A = tpu.sem_alloc : memref<!tpu.dma_semaphore, #tpu.memory_space<semaphore_mem>>
        %dma_start3A_52 = arith.constant 0 : i32
        %dma_start3A_53 = arith.constant 0 : i32
        %dma_start3A_54 = tpu.memref_slice %arg13[%dma_start3A_52, %dma_start3A_53] : memref<10000x128xf32, #tpu.memory_space<vmem_shared>> -> memref<10000x128xf32, #tpu.memory_space<vmem_shared>>
        tpu.enqueue_indirect_dma source(%arg9 : memref<80x128xf32, #tpu.memory_space<vmem>>) target(%dma_start3A_54 : memref<10000x128xf32, #tpu.memory_space<vmem_shared>>) offsets(%arg8 : memref<80xi32, #tpu.memory_space<vmem>>) semaphore(%run_scoped3A : memref<!tpu.dma_semaphore, #tpu.memory_space<semaphore_mem>>) {add = true}
        %dma_wait3A_55 = arith.constant 0 : i32
        %dma_wait3A_56 = arith.constant 0 : i32
        %dma_wait3A_57 = tpu.memref_slice %arg13[%dma_wait3A_55, %dma_wait3A_56] : memref<10000x128xf32, #tpu.memory_space<vmem_shared>> -> memref<10000x128xf32, #tpu.memory_space<vmem_shared>>
        tpu.wait_indirect_dma semaphore(%run_scoped3A : memref<!tpu.dma_semaphore, #tpu.memory_space<semaphore_mem>>) src(%arg9 : memref<80x128xf32, #tpu.memory_space<vmem>>) dst(%dma_wait3A_57 : memref<10000x128xf32, #tpu.memory_space<vmem_shared>>)
        tpu.yield
      }) : () -> ()
      %mul3A_38 = arith.constant 2 : i32
      %mul3A_39 = arith.muli %mul3A_38, %scan3A_23 : i32
      %add3A_40 = arith.constant 2 : i32
      %add3A_41 = arith.addi %mul3A_39, %add3A_40 : i32
      %mul3A_42 = arith.constant 80 : i32
      %mul3A_43 = arith.muli %add3A_41, %mul3A_42 : i32
      %add3A_44 = arith.addi %multiple_of3A, %mul3A_43 : i32
      %multiple_of3A_45 = tpu.assume_multiple %add3A_44, 8 : i32
      "tpu.region"() ({
        %run_scoped3A = tpu.sem_alloc : memref<!tpu.dma_semaphore, #tpu.memory_space<semaphore_mem>>
        %dma_start3A_52 = tpu.memref_slice %arg3[%multiple_of3A_45] : memref<320000xi32, #tpu.memory_space<hbm>> -> memref<80xi32, #tpu.memory_space<hbm>>
        %dma_start3A_53 = tpu.memref_slice %arg3[%multiple_of3A_45] : memref<320000xi32, #tpu.memory_space<hbm>> -> memref<80xi32, #tpu.memory_space<hbm>>
        tpu.enqueue_dma source(%dma_start3A_53 : memref<80xi32, #tpu.memory_space<hbm>>) target(%arg7 : memref<80xi32, #tpu.memory_space<vmem>>) target_semaphore(%run_scoped3A : memref<!tpu.dma_semaphore, #tpu.memory_space<semaphore_mem>>)
        %dma_wait3A_54 = tpu.memref_slice %arg3[%multiple_of3A_45] : memref<320000xi32, #tpu.memory_space<hbm>> -> memref<80xi32, #tpu.memory_space<hbm>>
        %dma_wait3A_55 = tpu.memref_slice %arg3[%multiple_of3A_45] : memref<320000xi32, #tpu.memory_space<hbm>> -> memref<80xi32, #tpu.memory_space<hbm>>
        tpu.wait_dma2 semaphore(%run_scoped3A : memref<!tpu.dma_semaphore, #tpu.memory_space<semaphore_mem>>) src(%dma_wait3A_55 : memref<80xi32, #tpu.memory_space<hbm>>) dst(%arg7 : memref<80xi32, #tpu.memory_space<vmem>>)
        tpu.yield
      }) : () -> ()
      "tpu.region"() ({
        %run_scoped3A = tpu.sem_alloc : memref<!tpu.dma_semaphore, #tpu.memory_space<semaphore_mem>>
        %dma_start3A_52 = tpu.memref_slice %arg4[%multiple_of3A_45] : memref<320000xi32, #tpu.memory_space<hbm>> -> memref<80xi32, #tpu.memory_space<hbm>>
        %dma_start3A_53 = tpu.memref_slice %arg4[%multiple_of3A_45] : memref<320000xi32, #tpu.memory_space<hbm>> -> memref<80xi32, #tpu.memory_space<hbm>>
        tpu.enqueue_dma source(%dma_start3A_53 : memref<80xi32, #tpu.memory_space<hbm>>) target(%arg8 : memref<80xi32, #tpu.memory_space<vmem>>) target_semaphore(%run_scoped3A : memref<!tpu.dma_semaphore, #tpu.memory_space<semaphore_mem>>)
        %dma_wait3A_54 = tpu.memref_slice %arg4[%multiple_of3A_45] : memref<320000xi32, #tpu.memory_space<hbm>> -> memref<80xi32, #tpu.memory_space<hbm>>
        %dma_wait3A_55 = tpu.memref_slice %arg4[%multiple_of3A_45] : memref<320000xi32, #tpu.memory_space<hbm>> -> memref<80xi32, #tpu.memory_space<hbm>>
        tpu.wait_dma2 semaphore(%run_scoped3A : memref<!tpu.dma_semaphore, #tpu.memory_space<semaphore_mem>>) src(%dma_wait3A_55 : memref<80xi32, #tpu.memory_space<hbm>>) dst(%arg8 : memref<80xi32, #tpu.memory_space<vmem>>)
        tpu.yield
      }) : () -> ()
      %dma_start3A_46 = arith.constant 0 : i32
      %dma_start3A_47 = arith.constant 0 : i32
      %dma_start3A_48 = tpu.memref_slice %arg2[%dma_start3A_46, %dma_start3A_47] : memref<10000x128xf32, #tpu.memory_space<hbm>> -> memref<10000x128xf32, #tpu.memory_space<hbm>>
      tpu.enqueue_indirect_dma source(%dma_start3A_48 : memref<10000x128xf32, #tpu.memory_space<hbm>>) target(%arg9 : memref<80x128xf32, #tpu.memory_space<vmem>>) offsets(%arg7 : memref<80xi32, #tpu.memory_space<vmem>>) semaphore(%arg14 : memref<!tpu.dma_semaphore, #tpu.memory_space<semaphore_mem>>)
      %dma_wait3A_49 = arith.constant 0 : i32
      %dma_wait3A_50 = arith.constant 0 : i32
      %dma_wait3A_51 = tpu.memref_slice %arg2[%dma_wait3A_49, %dma_wait3A_50] : memref<10000x128xf32, #tpu.memory_space<hbm>> -> memref<10000x128xf32, #tpu.memory_space<hbm>>
      tpu.wait_indirect_dma semaphore(%arg15 : memref<!tpu.dma_semaphore, #tpu.memory_space<semaphore_mem>>) src(%dma_wait3A_51 : memref<10000x128xf32, #tpu.memory_space<hbm>>) dst(%arg12 : memref<80x128xf32, #tpu.memory_space<vmem>>)
      "tpu.region"() ({
        %run_scoped3A = tpu.sem_alloc : memref<!tpu.dma_semaphore, #tpu.memory_space<semaphore_mem>>
        %dma_start3A_52 = arith.constant 0 : i32
        %dma_start3A_53 = arith.constant 0 : i32
        %dma_start3A_54 = tpu.memref_slice %arg13[%dma_start3A_52, %dma_start3A_53] : memref<10000x128xf32, #tpu.memory_space<vmem_shared>> -> memref<10000x128xf32, #tpu.memory_space<vmem_shared>>
        tpu.enqueue_indirect_dma source(%arg12 : memref<80x128xf32, #tpu.memory_space<vmem>>) target(%dma_start3A_54 : memref<10000x128xf32, #tpu.memory_space<vmem_shared>>) offsets(%arg11 : memref<80xi32, #tpu.memory_space<vmem>>) semaphore(%run_scoped3A : memref<!tpu.dma_semaphore, #tpu.memory_space<semaphore_mem>>) {add = true}
        %dma_wait3A_55 = arith.constant 0 : i32
        %dma_wait3A_56 = arith.constant 0 : i32
        %dma_wait3A_57 = tpu.memref_slice %arg13[%dma_wait3A_55, %dma_wait3A_56] : memref<10000x128xf32, #tpu.memory_space<vmem_shared>> -> memref<10000x128xf32, #tpu.memory_space<vmem_shared>>
        tpu.wait_indirect_dma semaphore(%run_scoped3A : memref<!tpu.dma_semaphore, #tpu.memory_space<semaphore_mem>>) src(%arg12 : memref<80x128xf32, #tpu.memory_space<vmem>>) dst(%dma_wait3A_57 : memref<10000x128xf32, #tpu.memory_space<vmem_shared>>)
        tpu.yield
      }) : () -> ()
    }
    %scan3A_14 = arith.constant 62 : i32
    %dma_wait3A = arith.constant 0 : i32
    %dma_wait3A_15 = arith.constant 0 : i32
    %dma_wait3A_16 = tpu.memref_slice %arg2[%dma_wait3A, %dma_wait3A_15] : memref<10000x128xf32, #tpu.memory_space<hbm>> -> memref<10000x128xf32, #tpu.memory_space<hbm>>
    tpu.wait_indirect_dma semaphore(%arg14 : memref<!tpu.dma_semaphore, #tpu.memory_space<semaphore_mem>>) src(%dma_wait3A_16 : memref<10000x128xf32, #tpu.memory_space<hbm>>) dst(%arg9 : memref<80x128xf32, #tpu.memory_space<vmem>>)
    "tpu.region"() ({
      %run_scoped3A = tpu.sem_alloc : memref<!tpu.dma_semaphore, #tpu.memory_space<semaphore_mem>>
      %dma_start3A_23 = arith.constant 0 : i32
      %dma_start3A_24 = arith.constant 0 : i32
      %dma_start3A_25 = tpu.memref_slice %arg13[%dma_start3A_23, %dma_start3A_24] : memref<10000x128xf32, #tpu.memory_space<vmem_shared>> -> memref<10000x128xf32, #tpu.memory_space<vmem_shared>>
      tpu.enqueue_indirect_dma source(%arg9 : memref<80x128xf32, #tpu.memory_space<vmem>>) target(%dma_start3A_25 : memref<10000x128xf32, #tpu.memory_space<vmem_shared>>) offsets(%arg8 : memref<80xi32, #tpu.memory_space<vmem>>) semaphore(%run_scoped3A : memref<!tpu.dma_semaphore, #tpu.memory_space<semaphore_mem>>) {add = true}
      %dma_wait3A_26 = arith.constant 0 : i32
      %dma_wait3A_27 = arith.constant 0 : i32
      %dma_wait3A_28 = tpu.memref_slice %arg13[%dma_wait3A_26, %dma_wait3A_27] : memref<10000x128xf32, #tpu.memory_space<vmem_shared>> -> memref<10000x128xf32, #tpu.memory_space<vmem_shared>>
      tpu.wait_indirect_dma semaphore(%run_scoped3A : memref<!tpu.dma_semaphore, #tpu.memory_space<semaphore_mem>>) src(%arg9 : memref<80x128xf32, #tpu.memory_space<vmem>>) dst(%dma_wait3A_28 : memref<10000x128xf32, #tpu.memory_space<vmem_shared>>)
      tpu.yield
    }) : () -> ()
    %barrier3A_17 = arith.constant 0 : index
    tpu.barrier barrier_id(%barrier3A_17)
    "tpu.region"() ({
      %run_scoped3A = tpu.sem_alloc : memref<!tpu.dma_semaphore, #tpu.memory_space<semaphore_mem>>
      %dma_start3A_23 = arith.constant 0 : i32
      %dma_start3A_24 = tpu.memref_slice %arg6[%arg0, %multiple_of3A_5, %dma_start3A_23] : memref<2x10000x128xf32, #tpu.memory_space<hbm>> -> memref<1x624x128xf32, #tpu.memory_space<hbm>>
      %dma_start3A_25 = tpu.memref_squeeze %dma_start3A_24 : memref<1x624x128xf32, #tpu.memory_space<hbm>> -> memref<624x128xf32, #tpu.memory_space<hbm>>
      %dma_start3A_26 = arith.constant 0 : i32
      %dma_start3A_27 = tpu.memref_slice %arg13[%multiple_of3A_5, %dma_start3A_26] : memref<10000x128xf32, #tpu.memory_space<vmem_shared>> -> memref<624x128xf32, #tpu.memory_space<vmem_shared>>
      tpu.enqueue_dma source(%dma_start3A_27 : memref<624x128xf32, #tpu.memory_space<vmem_shared>>) target(%dma_start3A_25 : memref<624x128xf32, #tpu.memory_space<hbm>>) target_semaphore(%run_scoped3A : memref<!tpu.dma_semaphore, #tpu.memory_space<semaphore_mem>>)
      %dma_wait3A_28 = arith.constant 0 : i32
      %dma_wait3A_29 = tpu.memref_slice %arg6[%arg0, %multiple_of3A_5, %dma_wait3A_28] : memref<2x10000x128xf32, #tpu.memory_space<hbm>> -> memref<1x624x128xf32, #tpu.memory_space<hbm>>
      %dma_wait3A_30 = tpu.memref_squeeze %dma_wait3A_29 : memref<1x624x128xf32, #tpu.memory_space<hbm>> -> memref<624x128xf32, #tpu.memory_space<hbm>>
      %dma_wait3A_31 = arith.constant 0 : i32
      %dma_wait3A_32 = tpu.memref_slice %arg13[%multiple_of3A_5, %dma_wait3A_31] : memref<10000x128xf32, #tpu.memory_space<vmem_shared>> -> memref<624x128xf32, #tpu.memory_space<vmem_shared>>
      tpu.wait_dma2 semaphore(%run_scoped3A : memref<!tpu.dma_semaphore, #tpu.memory_space<semaphore_mem>>) src(%dma_wait3A_32 : memref<624x128xf32, #tpu.memory_space<vmem_shared>>) dst(%dma_wait3A_30 : memref<624x128xf32, #tpu.memory_space<hbm>>)
      tpu.yield
    }) : () -> ()
    %eq3A_18 = arith.constant 15 : i32
    %eq3A_19 = arith.cmpi eq, %arg1, %eq3A_18 : i32
    %convert_element_type3A_20 = arith.extui %eq3A_19 : i1 to i32
    %cond3A_21 = arith.constant 0 : i32
    %cond3A_22 = arith.cmpi ne, %convert_element_type3A_20, %cond3A_21 : i32
    scf.if %cond3A_22 {
      "tpu.region"() ({
        %run_scoped3A = tpu.sem_alloc : memref<!tpu.dma_semaphore, #tpu.memory_space<semaphore_mem>>
        %dma_start3A_23 = arith.constant 9984 : i32
        %dma_start3A_24 = arith.constant 0 : i32
        %dma_start3A_25 = tpu.memref_slice %arg6[%arg0, %dma_start3A_23, %dma_start3A_24] : memref<2x10000x128xf32, #tpu.memory_space<hbm>> -> memref<1x16x128xf32, #tpu.memory_space<hbm>>
        %dma_start3A_26 = tpu.memref_squeeze %dma_start3A_25 : memref<1x16x128xf32, #tpu.memory_space<hbm>> -> memref<16x128xf32, #tpu.memory_space<hbm>>
        %dma_start3A_27 = arith.constant 9984 : i32
        %dma_start3A_28 = arith.constant 0 : i32
        %dma_start3A_29 = tpu.memref_slice %arg13[%dma_start3A_27, %dma_start3A_28] : memref<10000x128xf32, #tpu.memory_space<vmem_shared>> -> memref<16x128xf32, #tpu.memory_space<vmem_shared>>
        tpu.enqueue_dma source(%dma_start3A_29 : memref<16x128xf32, #tpu.memory_space<vmem_shared>>) target(%dma_start3A_26 : memref<16x128xf32, #tpu.memory_space<hbm>>) target_semaphore(%run_scoped3A : memref<!tpu.dma_semaphore, #tpu.memory_space<semaphore_mem>>)
        %dma_wait3A_30 = arith.constant 9984 : i32
        %dma_wait3A_31 = arith.constant 0 : i32
        %dma_wait3A_32 = tpu.memref_slice %arg6[%arg0, %dma_wait3A_30, %dma_wait3A_31] : memref<2x10000x128xf32, #tpu.memory_space<hbm>> -> memref<1x16x128xf32, #tpu.memory_space<hbm>>
        %dma_wait3A_33 = tpu.memref_squeeze %dma_wait3A_32 : memref<1x16x128xf32, #tpu.memory_space<hbm>> -> memref<16x128xf32, #tpu.memory_space<hbm>>
        %dma_wait3A_34 = arith.constant 9984 : i32
        %dma_wait3A_35 = arith.constant 0 : i32
        %dma_wait3A_36 = tpu.memref_slice %arg13[%dma_wait3A_34, %dma_wait3A_35] : memref<10000x128xf32, #tpu.memory_space<vmem_shared>> -> memref<16x128xf32, #tpu.memory_space<vmem_shared>>
        tpu.wait_dma2 semaphore(%run_scoped3A : memref<!tpu.dma_semaphore, #tpu.memory_space<semaphore_mem>>) src(%dma_wait3A_36 : memref<16x128xf32, #tpu.memory_space<vmem_shared>>) dst(%dma_wait3A_33 : memref<16x128xf32, #tpu.memory_space<hbm>>)
        tpu.yield
      }) : () -> ()
    } else {
    }
    return
  }
}

module attributes {stable_mosaic.version = 14 : i64} {
  func.func @_dense1_body(%arg0: i32, %arg1: memref<2x400x128xf32, #tpu.memory_space<vmem>>, %arg2: memref<2x400x128xf32, #tpu.memory_space<vmem>>, %arg3: memref<400x128xf32, #tpu.memory_space<vmem>>, %arg4: memref<128x128xf32, #tpu.memory_space<vmem>>, %arg5: memref<128x128xf32, #tpu.memory_space<vmem>>, %arg6: memref<1x128xf32, #tpu.memory_space<vmem>>, %arg7: memref<128x128xf32, #tpu.memory_space<vmem>>, %arg8: memref<1x128xf32, #tpu.memory_space<vmem>>, %arg9: memref<400x128xf32, #tpu.memory_space<vmem>>) attributes {dimension_semantics = [#tpu.dimension_semantics<arbitrary>], iteration_bounds = array<i64: 25>, scalar_prefetch = 0 : i64, scratch_operands = 0 : i64, tpu.core_type = #tpu.core_type<tc>, window_params = [{transform_indices = @transform_0, window_bounds = array<i64: 2, 400, 128>}, {transform_indices = @transform_1, window_bounds = array<i64: 2, 400, 128>}, {transform_indices = @transform_2, window_bounds = array<i64: 400, 128>}, {pipeline_mode = #tpu.pipeline_mode<synchronous>, transform_indices = @transform_3, window_bounds = array<i64: 128, 128>}, {pipeline_mode = #tpu.pipeline_mode<synchronous>, transform_indices = @transform_4, window_bounds = array<i64: 128, 128>}, {pipeline_mode = #tpu.pipeline_mode<synchronous>, transform_indices = @transform_5, window_bounds = array<i64: 1, 128>}, {pipeline_mode = #tpu.pipeline_mode<synchronous>, transform_indices = @transform_6, window_bounds = array<i64: 128, 128>}, {pipeline_mode = #tpu.pipeline_mode<synchronous>, transform_indices = @transform_7, window_bounds = array<i64: 1, 128>}, {transform_indices = @transform_8, window_bounds = array<i64: 400, 128>}]} {
    %get3A = arith.constant 0 : index
    %get3A_0 = arith.constant 0 : index
    %get3A_1 = arith.constant 0 : index
    %get3A_2 = vector.load %arg2[%get3A, %get3A_0, %get3A_1] : memref<2x400x128xf32, #tpu.memory_space<vmem>>, vector<1x400x1xf32>
    %get3A_3 = vector.shape_cast %get3A_2 : vector<1x400x1xf32> to vector<400x1xf32>
    %get3A_4 = arith.constant 1 : index
    %get3A_5 = arith.constant 0 : index
    %get3A_6 = arith.constant 0 : index
    %get3A_7 = vector.load %arg2[%get3A_4, %get3A_5, %get3A_6] : memref<2x400x128xf32, #tpu.memory_space<vmem>>, vector<1x400x1xf32>
    %get3A_8 = vector.shape_cast %get3A_7 : vector<1x400x1xf32> to vector<400x1xf32>
    %add3A = arith.addf %get3A_3, %get3A_8 : vector<400x1xf32>
    %max3A = arith.constant 1.000000e+00 : f32
    %max3A_9 = vector.broadcast %max3A : f32 to vector<400x1xf32>
    %max3A_10 = arith.maximumf %add3A, %max3A_9 : vector<400x1xf32>
    %get3A_11 = arith.constant 0 : index
    %get3A_12 = arith.constant 0 : index
    %get3A_13 = arith.constant 0 : index
    %get3A_14 = vector.load %arg1[%get3A_11, %get3A_12, %get3A_13] : memref<2x400x128xf32, #tpu.memory_space<vmem>>, vector<1x400x128xf32>
    %get3A_15 = vector.shape_cast %get3A_14 : vector<1x400x128xf32> to vector<400x128xf32>
    %get3A_16 = arith.constant 1 : index
    %get3A_17 = arith.constant 0 : index
    %get3A_18 = arith.constant 0 : index
    %get3A_19 = vector.load %arg1[%get3A_16, %get3A_17, %get3A_18] : memref<2x400x128xf32, #tpu.memory_space<vmem>>, vector<1x400x128xf32>
    %get3A_20 = vector.shape_cast %get3A_19 : vector<1x400x128xf32> to vector<400x128xf32>
    %add3A_21 = arith.addf %get3A_15, %get3A_20 : vector<400x128xf32>
    %div3A = vector.broadcast %max3A_10 : vector<400x1xf32> to vector<400x128xf32>
    %div3A_22 = arith.divf %add3A_21, %div3A : vector<400x128xf32>
    %get3A_23 = arith.constant 0 : index
    %get3A_24 = arith.constant 0 : index
    %get3A_25 = vector.load %arg4[%get3A_23, %get3A_24] : memref<128x128xf32, #tpu.memory_space<vmem>>, vector<128x128xf32>
    %dot_general3A = arith.constant dense<0.000000e+00> : vector<400x128xf32>
    %dot_general3A_26 = tpu.matmul %div3A_22, %get3A_25, %dot_general3A {dimension_numbers = #tpu.dot_dimension_numbers<[1], [0], [0], [1], [0, 0, 1, 1], [], []>, transpose_lhs_hint = false} : vector<400x128xf32>, vector<128x128xf32>, vector<400x128xf32> -> vector<400x128xf32>
    %get3A_27 = arith.constant 0 : index
    %get3A_28 = arith.constant 0 : index
    %get3A_29 = vector.load %arg3[%get3A_27, %get3A_28] : memref<400x128xf32, #tpu.memory_space<vmem>>, vector<400x128xf32>
    %get3A_30 = arith.constant 0 : index
    %get3A_31 = arith.constant 0 : index
    %get3A_32 = vector.load %arg5[%get3A_30, %get3A_31] : memref<128x128xf32, #tpu.memory_space<vmem>>, vector<128x128xf32>
    %dot_general3A_33 = arith.constant dense<0.000000e+00> : vector<400x128xf32>
    %dot_general3A_34 = tpu.matmul %get3A_29, %get3A_32, %dot_general3A_33 {dimension_numbers = #tpu.dot_dimension_numbers<[1], [0], [0], [1], [0, 0, 1, 1], [], []>, transpose_lhs_hint = false} : vector<400x128xf32>, vector<128x128xf32>, vector<400x128xf32> -> vector<400x128xf32>
    %add3A_35 = arith.addf %dot_general3A_26, %dot_general3A_34 : vector<400x128xf32>
    %get3A_36 = arith.constant 0 : index
    %get3A_37 = arith.constant 0 : index
    %get3A_38 = vector.load %arg6[%get3A_36, %get3A_37] : memref<1x128xf32, #tpu.memory_space<vmem>>, vector<1x128xf32>
    %add3A_39 = vector.broadcast %get3A_38 : vector<1x128xf32> to vector<400x128xf32>
    %add3A_40 = arith.addf %add3A_35, %add3A_39 : vector<400x128xf32>
    %max3A_41 = arith.constant 0.000000e+00 : f32
    %max3A_42 = vector.broadcast %max3A_41 : f32 to vector<400x128xf32>
    %max3A_43 = arith.maximumf %add3A_40, %max3A_42 : vector<400x128xf32>
    %get3A_44 = arith.constant 0 : index
    %get3A_45 = arith.constant 0 : index
    %get3A_46 = vector.load %arg7[%get3A_44, %get3A_45] : memref<128x128xf32, #tpu.memory_space<vmem>>, vector<128x128xf32>
    %dot_general3A_47 = arith.constant dense<0.000000e+00> : vector<400x128xf32>
    %dot_general3A_48 = tpu.matmul %max3A_43, %get3A_46, %dot_general3A_47 {dimension_numbers = #tpu.dot_dimension_numbers<[1], [0], [0], [1], [0, 0, 1, 1], [], []>, transpose_lhs_hint = false} : vector<400x128xf32>, vector<128x128xf32>, vector<400x128xf32> -> vector<400x128xf32>
    %get3A_49 = arith.constant 0 : index
    %get3A_50 = arith.constant 0 : index
    %get3A_51 = vector.load %arg8[%get3A_49, %get3A_50] : memref<1x128xf32, #tpu.memory_space<vmem>>, vector<1x128xf32>
    %add3A_52 = vector.broadcast %get3A_51 : vector<1x128xf32> to vector<400x128xf32>
    %add3A_53 = arith.addf %dot_general3A_48, %add3A_52 : vector<400x128xf32>
    %swap3A = arith.constant 0 : index
    %swap3A_54 = arith.constant 0 : index
    %swap3A_55 = vector.load %arg9[%swap3A, %swap3A_54] : memref<400x128xf32, #tpu.memory_space<vmem>>, vector<400x128xf32>
    tpu.vector_store %arg9[%swap3A, %swap3A_54], %add3A_53 {strides = array<i32>} : memref<400x128xf32, #tpu.memory_space<vmem>>, vector<400x128xf32>,
    return
  }
  func.func @transform_0(%arg0: i32) -> (i32, i32, i32) {
    %c0_i32 = arith.constant 0 : i32
    %c0_i32_0 = arith.constant 0 : i32
    %c0_i32_1 = arith.constant 0 : i32
    return %c0_i32, %arg0, %c0_i32_0 : i32, i32, i32
  }
  func.func @transform_1(%arg0: i32) -> (i32, i32, i32) {
    %c0_i32 = arith.constant 0 : i32
    %c0_i32_0 = arith.constant 0 : i32
    %c0_i32_1 = arith.constant 0 : i32
    return %c0_i32, %arg0, %c0_i32_0 : i32, i32, i32
  }
  func.func @transform_2(%arg0: i32) -> (i32, i32) {
    %c0_i32 = arith.constant 0 : i32
    %c0_i32_0 = arith.constant 0 : i32
    return %arg0, %c0_i32 : i32, i32
  }
  func.func @transform_3(%arg0: i32) -> (i32, i32) {
    %c0_i32 = arith.constant 0 : i32
    %c0_i32_0 = arith.constant 0 : i32
    %c0_i32_1 = arith.constant 0 : i32
    return %c0_i32, %c0_i32_0 : i32, i32
  }
  func.func @transform_4(%arg0: i32) -> (i32, i32) {
    %c0_i32 = arith.constant 0 : i32
    %c0_i32_0 = arith.constant 0 : i32
    %c0_i32_1 = arith.constant 0 : i32
    return %c0_i32, %c0_i32_0 : i32, i32
  }
  func.func @transform_5(%arg0: i32) -> (i32, i32) {
    %c0_i32 = arith.constant 0 : i32
    %c0_i32_0 = arith.constant 0 : i32
    %c0_i32_1 = arith.constant 0 : i32
    return %c0_i32, %c0_i32_0 : i32, i32
  }
  func.func @transform_6(%arg0: i32) -> (i32, i32) {
    %c0_i32 = arith.constant 0 : i32
    %c0_i32_0 = arith.constant 0 : i32
    %c0_i32_1 = arith.constant 0 : i32
    return %c0_i32, %c0_i32_0 : i32, i32
  }
  func.func @transform_7(%arg0: i32) -> (i32, i32) {
    %c0_i32 = arith.constant 0 : i32
    %c0_i32_0 = arith.constant 0 : i32
    %c0_i32_1 = arith.constant 0 : i32
    return %c0_i32, %c0_i32_0 : i32, i32
  }
  func.func @transform_8(%arg0: i32) -> (i32, i32) {
    %c0_i32 = arith.constant 0 : i32
    %c0_i32_0 = arith.constant 0 : i32
    return %arg0, %c0_i32 : i32, i32
  }
}

module attributes {stable_mosaic.version = 14 : i64} {
  func.func @_dense2_body(%arg0: i32, %arg1: memref<2x400x128xf32, #tpu.memory_space<vmem>>, %arg2: memref<400x128xf32, #tpu.memory_space<vmem>>, %arg3: memref<400x128xf32, #tpu.memory_space<vmem>>, %arg4: memref<400x128xf32, #tpu.memory_space<vmem>>) attributes {dimension_semantics = [#tpu.dimension_semantics<arbitrary>], iteration_bounds = array<i64: 4>, scalar_prefetch = 0 : i64, scratch_operands = 0 : i64, tpu.core_type = #tpu.core_type<tc>, window_params = [{transform_indices = @transform_0, window_bounds = array<i64: 2, 400, 128>}, {transform_indices = @transform_1, window_bounds = array<i64: 400, 128>}, {transform_indices = @transform_2, window_bounds = array<i64: 400, 128>}, {transform_indices = @transform_3, window_bounds = array<i64: 400, 128>}]} {
    %get3A = arith.constant 0 : index
    %get3A_0 = arith.constant 0 : index
    %get3A_1 = vector.load %arg2[%get3A, %get3A_0] : memref<400x128xf32, #tpu.memory_space<vmem>>, vector<400x128xf32>
    %max3A = arith.constant 1.000000e+00 : f32
    %max3A_2 = vector.broadcast %max3A : f32 to vector<400x128xf32>
    %max3A_3 = arith.maximumf %get3A_1, %max3A_2 : vector<400x128xf32>
    %get3A_4 = arith.constant 0 : index
    %get3A_5 = arith.constant 0 : index
    %get3A_6 = arith.constant 0 : index
    %get3A_7 = vector.load %arg1[%get3A_4, %get3A_5, %get3A_6] : memref<2x400x128xf32, #tpu.memory_space<vmem>>, vector<1x400x128xf32>
    %get3A_8 = vector.shape_cast %get3A_7 : vector<1x400x128xf32> to vector<400x128xf32>
    %get3A_9 = arith.constant 1 : index
    %get3A_10 = arith.constant 0 : index
    %get3A_11 = arith.constant 0 : index
    %get3A_12 = vector.load %arg1[%get3A_9, %get3A_10, %get3A_11] : memref<2x400x128xf32, #tpu.memory_space<vmem>>, vector<1x400x128xf32>
    %get3A_13 = vector.shape_cast %get3A_12 : vector<1x400x128xf32> to vector<400x128xf32>
    %add3A = arith.addf %get3A_8, %get3A_13 : vector<400x128xf32>
    %div3A = arith.divf %add3A, %max3A_3 : vector<400x128xf32>
    %get3A_14 = arith.constant 0 : index
    %get3A_15 = arith.constant 0 : index
    %get3A_16 = vector.load %arg3[%get3A_14, %get3A_15] : memref<400x128xf32, #tpu.memory_space<vmem>>, vector<400x128xf32>
    %add3A_17 = arith.addf %div3A, %get3A_16 : vector<400x128xf32>
    %swap3A = arith.constant 0 : index
    %swap3A_18 = arith.constant 0 : index
    %swap3A_19 = vector.load %arg4[%swap3A, %swap3A_18] : memref<400x128xf32, #tpu.memory_space<vmem>>, vector<400x128xf32>
    tpu.vector_store %arg4[%swap3A, %swap3A_18], %add3A_17 {strides = array<i32>} : memref<400x128xf32, #tpu.memory_space<vmem>>, vector<400x128xf32>,
    return
  }
  func.func @transform_0(%arg0: i32) -> (i32, i32, i32) {
    %c0_i32 = arith.constant 0 : i32
    %c0_i32_0 = arith.constant 0 : i32
    %c0_i32_1 = arith.constant 0 : i32
    return %c0_i32, %arg0, %c0_i32_0 : i32, i32, i32
  }
  func.func @transform_1(%arg0: i32) -> (i32, i32) {
    %c0_i32 = arith.constant 0 : i32
    %c0_i32_0 = arith.constant 0 : i32
    return %arg0, %c0_i32 : i32, i32
  }
  func.func @transform_2(%arg0: i32) -> (i32, i32) {
    %c0_i32 = arith.constant 0 : i32
    %c0_i32_0 = arith.constant 0 : i32
    return %arg0, %c0_i32 : i32, i32
  }
  func.func @transform_3(%arg0: i32) -> (i32, i32) {
    %c0_i32 = arith.constant 0 : i32
    %c0_i32_0 = arith.constant 0 : i32
    return %arg0, %c0_i32 : i32, i32
  }
}

</mosaic_0001>

<sc_bundles>
// kernel: kernel.10.cloned.1.call-start
scs
__scs_entry_jumppad:
0x0: {  	(pc) =	sbr.rel $0x88, $3  }
0x1: {  	(tag) =	ssettag $0x0;
	lr =	simm.s32 $0x1  }
0x2: {  	[smem:$0x3F99] =	sst lr;
	_ =	strace $0xD0000000  }
0x3: {  	_ = 	snop  }
0x4: {  	_ = 	snop  }
0x5: {  	_ = 	snop  }
0x6: {  	_ = 	snop  }
0x7: {  	_ = 	snop  }
__scs_overlays_trampoline_lowered:
0x8: {  	[smem:$0x3FA8] =	sst s0  }
0x9: {  	[smem:$0x3FA9] =	sst s1  }
0xa: {  	[smem:$0x3FAA] =	sst s2  }
0xb: {  	[smem:$0x3FAB] =	sst s3  }
0xc: {  	[smem:$0x3FAC] =	sst s4  }
0xd: {  	[smem:$0x3FAD] =	sst s5  }
0xe: {  	[smem:$0x3FAE] =	sst s6  }
0xf: {  	[smem:$0x3FAF] =	sst s7  }
0x10: {  	[smem:$0x3FB0] =	sst s8  }
0x11: {  	[smem:$0x3FB1] =	sst s9;
	s0 =	simm.s32 @!p0 $0x0  }
0x12: {  	s1 =	sld [smem:$0x3F97];
	s0 =	simm.s32 @p0 $0x1  }
0x13: {  	[smem:$0x3FB2] =	sst s0;
	s0 =	simm.s32 @!p1 $0x0  }
0x14: {  	s2 =	sld [smem:$0x3F96];
	s0 =	simm.s32 @p1 $0x1  }
0x15: {  	[smem:$0x3FB3] =	sst s0;
	s0 =	simm.s32 @!p2 $0x0  }
0x16: {  	s3 =	sld [smem:$0x3FDB];
	s0 =	simm.s32 @p2 $0x1  }
0x17: {  	s4 =	simm.s32 $0x1BF5;
	[smem:$0x3FB5] =	sst s0  }
0x18: {  	s0 =	sld [smem:$0x3F98];
	_ =	swait.ge [sflag:s4], $0x0  }
0x19: {  	s7 =	sld [smem:$0x3F99]  }
0x1a: {  	s8 =	sadd.s32 $0xFFFFE003, lr  }
0x1b: {  	s9 =	sadd.s32 $0xFFFFFEF7, lr;
	s5 =	simm.s32 $0xFFFFFFFF;
	p2 =	slt.u32 s8, $0xFFFFF086  }
0x1c: {  	p1 =	slt.u32 s9, $0xF7A;
	s5 =	simm.s32 @!p2 $0x0  }
0x1d: {  	s5 =	simm.s32 @p1 $0x1;
	p0 =	seq.s32 s7, s2  }
0x1e: {  	s7 =	smul.u32 @!p0 $0xF7A, s2;
	p2 =	seq.s32 @!p0 s5, $0x0  }
0x1f: {  	s9 =	smul.u32 $0xF7A, s1;
	s8 =	simm.s32 @!p0 $0x1BF5;
	p2 =	por !p2, p0  }
0x20: {  	[sflag:s8] =	ssyncset.s32 @!p0 $0xFFFFF086;
	s6 =	sadd.s32 @!p0 s3, s7;
	s7 =	simm.s32 @!p0 $0x108  }
0x21: {  	s3 =	sadd.s32 s3, s9;
	s6 =	sadd.s32 @!p0 $0x88, s6;
	s7 =	simm.s32 @p2 $0x1082  }
0x22: {  	[simem:s7], [sflag:s8] =	dma.local @!p0 [hbm:s6], $0xF7A  }
0x23: {  	s9 =	sor.u32 $0xD0000000, s2;
	s6 =	simm.s32 $0x108;
	_ =	swait.ge @!p0 [sflag:s8], $0x0  }
0x24: {  	s3 =	sadd.s32 $0x88, s3;
	s6 =	simm.s32 @!p1 $0x1082;
	[sflag:s4] =	ssyncset.s32 $0xFFFFF086  }
0x25: {  	[simem:s6], [sflag:s4] =	dma.local [hbm:s3], $0xF7A  }
0x26: {  	[smem:$0x3F99] =	sst s1;
	(tag) =	ssettag s2;
	_ =	strace s9  }
0x27: {  	s1 =	sld [smem:$0x3FA9]  }
0x28: {  	s2 =	sld [smem:$0x3FAA]  }
0x29: {  	s4 =	sld [smem:$0x3FAC]  }
0x2a: {  	p0 =	seq.s32 s5, $0x0;
	s5 =	sld [smem:$0x3FAD]  }
0x2b: {  	s6 =	sld [smem:$0x3FAE]  }
0x2c: {  	s7 =	sld [smem:$0x3FAF]  }
0x2d: {  	s3 =	simm.s32 $0x108;
	s8 =	sld [smem:$0x3FB0]  }
0x2e: {  	s3 =	simm.s32 @!p0 $0x1082;
	s9 =	sld [smem:$0x3FB1]  }
0x2f: {  	lr =	sadd.s32 s0, s3;
	s0 =	sld [smem:$0x3FA8]  }
0x30: {  	s3 =	sld [smem:$0x3FAB]  }
0x31: {  	[smem:$0x3FB4] =	sst s10  }
0x32: {  	s10 =	sld [smem:$0x3FB2];
	_ =	sdelay $0x3  }
0x33: {  	p0 =	seq.s32 s10, $0x1;
	s10 =	sld [smem:$0x3FB4];
	_ =	sdelay $0x3  }
0x34: {  	[smem:$0x3FB4] =	sst s10  }
0x35: {  	s10 =	sld [smem:$0x3FB3];
	_ =	sdelay $0x3  }
0x36: {  	p1 =	seq.s32 s10, $0x1;
	s10 =	sld [smem:$0x3FB4];
	_ =	sdelay $0x3  }
0x37: {  	[smem:$0x3FB4] =	sst s10  }
0x38: {  	s10 =	sld [smem:$0x3FB5]  }
0x39: {  	_ = 	snop;
	(pc) =	sbr.ind lr, $3  }
0x3a: {  	_ = 	snop  }
0x3b: {  	_ = 	snop  }
0x3c: {  	p2 =	seq.s32 s10, $0x1;
	s10 =	sld [smem:$0x3FB4]  }
0x3d: {  	_ =	shalt  }
0x3e: {  	_ =	shalt  }
0x3f: {  	_ =	shalt  }
0x40: {  	_ =	shalt  }
0x41: {  	_ =	shalt  }
0x42: {  	_ =	shalt  }
0x43: {  	_ =	shalt  }
0x44: {  	_ =	shalt  }
0x45: {  	_ =	shalt  }
0x46: {  	_ =	shalt  }
0x47: {  	_ =	shalt  }
0x48: {  	_ =	shalt  }
0x49: {  	_ =	shalt  }
0x4a: {  	_ =	shalt  }
0x4b: {  	_ =	shalt  }
0x4c: {  	_ =	shalt  }
0x4d: {  	_ =	shalt  }
0x4e: {  	_ =	shalt  }
0x4f: {  	_ =	shalt  }
0x50: {  	_ =	shalt  }
0x51: {  	_ =	shalt  }
0x52: {  	_ =	shalt  }
0x53: {  	_ =	shalt  }
0x54: {  	_ =	shalt  }
0x55: {  	_ =	shalt  }
0x56: {  	_ =	shalt  }
0x57: {  	_ =	shalt  }
0x58: {  	_ =	shalt  }
0x59: {  	_ =	shalt  }
0x5a: {  	_ =	shalt  }
0x5b: {  	_ =	shalt  }
0x5c: {  	_ =	shalt  }
0x5d: {  	_ =	shalt  }
0x5e: {  	_ =	shalt  }
0x5f: {  	_ =	shalt  }
0x60: {  	_ =	shalt  }
0x61: {  	_ =	shalt  }
0x62: {  	_ =	shalt  }
0x63: {  	_ =	shalt  }
0x64: {  	_ =	shalt  }
0x65: {  	_ =	shalt  }
0x66: {  	_ =	shalt  }
0x67: {  	_ =	shalt  }
0x68: {  	_ =	shalt  }
0x69: {  	_ =	shalt  }
0x6a: {  	_ =	shalt  }
0x6b: {  	_ =	shalt  }
0x6c: {  	_ =	shalt  }
0x6d: {  	_ =	shalt  }
0x6e: {  	_ =	shalt  }
0x6f: {  	_ =	shalt  }
0x70: {  	_ =	shalt  }
0x71: {  	_ =	shalt  }
0x72: {  	_ =	shalt  }
0x73: {  	_ =	shalt  }
0x74: {  	_ =	shalt  }
0x75: {  	_ =	shalt  }
0x76: {  	_ =	shalt  }
0x77: {  	_ =	shalt  }
0x78: {  	_ =	shalt  }
0x79: {  	_ =	shalt  }
0x7a: {  	_ =	shalt  }
0x7b: {  	_ =	shalt  }
0x7c: {  	_ =	shalt  }
0x7d: {  	_ =	shalt  }
0x7e: {  	_ =	shalt  }
0x7f: {  	_ =	shalt  }
0x80: {  	_ =	shalt  }
0x81: {  	_ =	shalt  }
0x82: {  	_ =	shalt  }
0x83: {  	_ =	shalt  }
0x84: {  	_ =	shalt  }
0x85: {  	_ =	shalt  }
0x86: {  	_ =	shalt  }
0x87: {  	_ =	shalt  }
.Lfunc_end0:
.L_simem_size_0:
called_computation.1_lowered:
.L_overlay_start_0:
0x88: {  	s2 =	sld [smem:$0x3FD9]  }
0x89: {  	s3 =	sld [smem:$0x3FFE];
	_ =	sdelay $0x1  }
0x8a: {  	s1 =	srdreg.scid  }
0x8b: {  	s0 =	sand.u32 $0x1, s1  }
0x8c: {  	s17 =	sshll.u32 s0, $0xA;
	s2 =	sadd.s32 s3, s2  }
0x8d: {  	s2 =	sadd.s32 s2, s17  }
0x8e: {  	[smem:$0x3FC0] =	sst s2  }
0x8f: {  	_ = 	snop  }
0x90: {  	s2 =	sld [smem:$0x3FC9];
	(tm) =	ssettm $0x1  }
0x91: {  	s18 =	sld [smem:$0x3FFB];
	_ =	sdelay $0x3  }
0x92: {  	_ =	strace s18  }
0x93: {  	s3 =	sld [smem:$0x3FFC];
	_ =	sdelay $0x3  }
0x94: {  	_ =	strace s3  }
0x95: {  	s3 =	sld [smem:$0x3FFD];
	_ =	sdelay $0x3  }
0x96: {  	_ =	strace s3  }
0x97: {  	_ =	strace $0x8FFFFFFF  }
0x98: {  	s19 =	sld [smem:$0x3FDB];
	_ =	sdelay $0x1  }
0x99: {  	s4 =	simm.s32 $_scs_section_size  }
0x9a: {  	s5 =	simm.s32 $_size__tile_overlayer_lowered;
	s6 =	simm.s32 $_tile_overlayer_lowered  }
0x9b: {  	s22 =	simm.s32 $0x1BFF;
	s21 =	sshll.u32 s6, $0x1;
	s3 =	sadd.s32 s4, s19  }
0x9c: {  	s7 =	simm.s32 $0x0;
	s20 =	sshll.u32 s5, $0x1;
	s5 =	sadd.s32 s21, s3  }
0x9d: {  	[timem:s7], [sflag:s22] =	dma.local [hbm:s5], s20  }
0x9e: {  	_ =	swait.ge [sflag:s22], s20  }
0x9f: {  	s4 =	ssub.s32 $0x0, s20;
	[sflag:s22] =	ssyncset.done $0x0  }
0xa0: {  	[sflag:s22] =	ssyncadd.s32 s4;
	_ =	sdelay $0x1  }
0xa1: {  	s23 =	simm.s32 $0x1B8B  }
0xa2: {  	_ =	swait.ge [sflag:s23], $0x1  }
0xa3: {  	[sflag:s23] =	ssyncset.done $0x0  }
0xa4: {  	s25 =	simm.s32 $0x1B8E;
	s24 =	sld [smem:$0x3FFE];
	[sflag:s23] =	ssyncadd.s32 $0xFFFFFFFF  }
0xa5: {  	s26 =	simm.s32 $execute0_lowered;
	[smem:$0x3FD2] =	sst s25  }
0xa6: {  	s5 =	sshll.u32 s26, $0x1;
	_ =	strace $0x80000046;
	[dreg:$0x1] =	wrdreg $0xFFFFFFFF  }
0xa7: {  	s28 =	simm.s32 $_size_execute0_lowered;
	s3 =	sadd.s32 s3, s5;
	[dreg:$0x0] =	wrdreg $0x0  }
0xa8: {  	s5 =	sshll.u32 s28, $0x1;
	[dreg:$0x2] =	wrdreg s3  }
0xa9: {  	[dreg:$0x3] =	wrdreg s5  }
0xaa: {  	[dreg:$0x4] =	wrdreg $0xC0  }
0xab: {  	_ =	task [dreg:s7], $0x5FFFF  }
0xac: {  	[dreg:$0x1] =	wrdreg $0xFFFFFFFF  }
0xad: {  	[dreg:$0x0] =	wrdreg $0x60  }
0xae: {  	[dreg:$0x2] =	wrdreg s2  }
0xaf: {  	[dreg:$0x3] =	wrdreg s24  }
0xb0: {  	[dreg:$0x4] =	wrdreg $0x52000  }
0xb1: {  	[dreg:$0x5] =	wrdreg $0xA  }
0xb2: {  	_ =	task.clear_ibuf [dreg:s7], $0x6FFFF;
	_ =	strace $0x90000046  }
0xb3: {  	s29 =	simm.s32 $0xA;
	_ =	strace $0x80000048  }
0xb4: {  	_ =	swait.ge [sflag:s29], $0x1  }
0xb5: {  	[sflag:s29] =	ssyncadd.s32 $0xFFFFFFFF  }
0xb6: {  	_ =	strace $0x90000048  }
0xb7: {  	_ =	sfence  }
0xb8: {  	s30 =	sld [smem:$0x0];
	_ =	sdelay $0x2  }
0xb9: {  	s31 =	sshll.u32 s1, $0xD;
	s1 =	sshrl.u32 s1, $0x2  }
0xba: {  	s3 =	sand.u32 $0x4000, s31;
	s1 =	sadd.s32 s1, s30  }
0xbb: {  	s0 =	sor.u32 s3, s0;
	s1 =	sshll.u32 s1, $0x11  }
0xbc: {  	s0 =	sor.u32 s1, s0  }
0xbd: {  	s0 =	sadd.s32 $0x8F2B, s0  }
0xbe: {  	[sflag:s0] =	ssyncadd.remote.s32 $0x1  }
0xbf: {  	_ =	sfence.sel $0xFFFF  }
0xc0: {  	[dreg:$0x0] =	wrdreg $0xFFFFFFFF;
	(pc) =	sbr.abs _section_cstart, $3  }
0xc1: {  	[dreg:$0x1] =	wrdreg $0xFFFFFFFF  }
0xc2: {  	_ =	task.clear_ibuf [dreg:s7], $0x2FFFF;
	_ =	strace $0x9FFFFFFF  }
0xc3: {  	(tm) =	ssettm $0x7FFFFFFF  }
tec
execute0_lowered:
.L_overlay_start_1:
0x0: {  	(tag) =	ssettag $0x1  }
0x1: {  	s1 =	rddreg [dreg:$0x0]  }
0x2: {  	s0 =	rddreg [dreg:$0x1]  }
0x3: {  	s2 =	rddreg [dreg:$0x2]  }
0x4: {  	s3 =	simm.s32 $0x0;
	s4 =	srdreg.scid;
	s18 =	stileid.u32  }
0x5: {  	s20 =	simm.s32 $0x80;
	s28 =	simm.s32 $0x2;
	s29 =	simm.s32 $0x0  }
0x6: {  	[smem:$0x7FF] =	sst s3;
	s5 =	sadd.s32 $0xB000, s0;
	s6 =	sadd.s32 $0x1200, s0  }
0x7: {  	s4 =	sand.u32 $0x1, s4;
	s7 =	sadd.s32 $0x14E00, s0;
	s10 =	smul.u32 $0x4E000, s18  }
0x8: {  	s0 =	sadd.s32 $0x17600, s0;
	s23 =	sshll.u32 s18, $0x6;
	s14 =	smul.u32 $0x13800, s18  }
0x9: {  	s19 =	sadd.s32 $0x138000, s2;
	s26 =	smul.u32 $0x2710, s18;
	p0 =	sne.s32 s18, $0xF  }
0xa: {  	_ =	strace $0x80000047;
	s8 =	sshll.u32 s4, $0x4;
	s22 =	smul.u32 $0x138800, s4  }
0xb: {  	s9 =	ssub.s32 $0x2, s4;
	s4 =	smul.u32 $0x27100, s4;
	s19 =	sshrl.u32 @!p0 s19, $0x3  }
0xc: {  	s8 =	sor.u32 s18, s8;
	s11 =	sshrl.u32 s9, $0x1;
	s21 =	sshrl.u32 s10, $0x2  }
0xd: {  	s18 =	simm.s32 $0x3;
	s12 =	smul.u32 $0x2710, s8;
	s13 =	ssub.s32 s9, s11  }
0xe: {  	s17 =	sadd.s32 s21, s2;
	s8 =	sor.u32 $0x1C03, s23;
	s14 =	sadd.s32 s14, s22  }
0xf: {  	s11 =	sshrl.u32 s22, $0x3;
	s4 =	sadd.s32 s26, s4;
	s21 =	simm.s32 $0x50  }
0x10: {  	s22 =	simm.s32 $0x100;
	s23 =	simm.s32 $0x2900;
	s26 =	simm.s32 $0x1  }
0x11: {  	s14 =	sshrl.u32 s14, $0x3;
	s15 =	sadd.s32 s0, s11;
	s31 =	sadd.s32 $0x50, s4  }
0x12: {  	s13 =	smax.u32 s13, $0x1;
	s17 =	sshrl.u32 s17, $0x3;
	s24 =	sshrl.u32 s12, $0x3  }
0x13: {  	s11 =	sadd.s32 s0, s14;
	s12 =	sadd.s32 $0x27000, s15;
	s14 =	sadd.s32 $0xA0, s4  }
0x14: {  	s0 =	sshrl.u32 s31, $0x3;
	s25 =	sadd.s32 s5, s24;
	s30 =	sadd.s32 s6, s24  }
0x15: {  	s15 =	sadd.s32 s0, s6;
	s16 =	sadd.s32 s0, s5;
	[dreg:$0x4] =	wrdreg s25  }
0x16: {  	s24 =	simm.s32 $0x2980;
	[dreg:$0x5] =	wrdreg s30;
	s25 =	simm.s32 $0x2A00  }
.LBB2_1:
0x17: {  	[spmem:s17], [sflag:s8] =	dma.local [hbm:s7], $0x2700  }
0x18: {  	_ =	swait.ge [sflag:s18], $0x2700  }
0x19: {  	[sflag:s18] =	ssyncset.done $0x0  }
0x1a: {  	s0 =	simm.s32 @!p0 $0x3;
	[sflag:s18] =	ssyncadd.s32 $0xFFFFD900  }
0x1b: {  	[spmem:s19], [sflag:s8] =	dma.local @!p0 [hbm:s7], $0x100  }
0x1c: {  	_ =	swait.ge @!p0 [sflag:s0], $0x100  }
0x1d: {  	[sflag:s0] =	ssyncset.done @!p0 $0x0  }
0x1e: {  	[sflag:s0] =	ssyncadd.s32 @!p0 $0xFFFFFF00  }
0x1f: {  	[bflag:$0x0] =	sbarrier.arrive $0xFFFF  }
0x20: {  	s9 =	rddreg [dreg:$0x4]  }
0x21: {  	[tilespmem:s3], [sflag:$0x3] =	stream.linear.gather [hbm4b:s9+s3], $0x50, $0x38;
	[tilespmem:$0x18A80] =	vst v63  }
0x22: {  	_ =	swait.ge [sflag:s18], $0x50  }
0x23: {  	[sflag:s18] =	ssyncset.done $0x0  }
0x24: {  	s10 =	rddreg [dreg:$0x5];
	[sflag:s18] =	ssyncadd.s32 $0xFFFFFFB0  }
0x25: {  	[tilespmem:s20], [sflag:$0x3] =	stream.linear.gather [hbm4b:s10+s3], $0x50, $0x38;
	[tilespmem:$0x18A80] =	vst v63  }
0x26: {  	_ =	swait.ge [sflag:s18], $0x50  }
0x27: {  	[sflag:s18] =	ssyncset.done $0x0  }
0x28: {  	[sflag:s18] =	ssyncadd.s32 $0xFFFFFFB0  }
0x29: {  	[tilespmem:s22], [sflag:$0x1] =	stream.indirect.gather [hbm4b:s1+s21], $0x80, s3, s21, $0xb8;
	[tilespmem:$0x18A80] =	vst v63  }
0x2a: {  	s4 =	sadd.s32 $0x0, s16  }
0x2b: {  	[tilespmem:s23], [sflag:$0x3] =	stream.linear.gather [hbm4b:s4+s3], $0x50, $0x38;
	[tilespmem:$0x18A80] =	vst v63  }
0x2c: {  	_ =	swait.ge [sflag:s18], $0x50  }
0x2d: {  	[sflag:s18] =	ssyncset.done $0x0  }
0x2e: {  	s9 =	sadd.s32 $0x0, s15;
	[sflag:s18] =	ssyncadd.s32 $0xFFFFFFB0  }
0x2f: {  	[tilespmem:s24], [sflag:$0x3] =	stream.linear.gather [hbm4b:s9+s3], $0x50, $0x38;
	[tilespmem:$0x18A80] =	vst v63  }
0x30: {  	_ =	swait.ge [sflag:s18], $0x50  }
0x31: {  	[sflag:s18] =	ssyncset.done $0x0  }
0x32: {  	[sflag:s18] =	ssyncadd.s32 $0xFFFFFFB0  }
0x33: {  	[tilespmem:s25], [sflag:$0x2] =	stream.indirect.gather [hbm4b:s1+s21], $0x80, s23, s21, $0xb8;
	[tilespmem:$0x18A80] =	vst v63  }
0x34: {  	_ =	swait.ge [sflag:s26], $0x2800  }
0x35: {  	[sflag:s26] =	ssyncset.done $0x0  }
0x36: {  	[sflag:s26] =	ssyncadd.s32 $0xFFFFD800  }
0x37: {  	[spmem:s2] =	stream.indirect.scatter.add.f32 [tilespmem:s22], [sflag:$0x3], $0x80, s20, s21, $0xb8;
	[tilespmem:$0x18A80] =	vst v63  }
0x38: {  	_ =	swait.ge [sflag:s18], $0x2800  }
0x39: {  	s10 =	sshrl.u32 s14, $0x3;
	[sflag:s18] =	ssyncset.done $0x0  }
0x3a: {  	s4 =	sadd.s32 s5, s10;
	[sflag:s18] =	ssyncadd.s32 $0xFFFFD800  }
0x3b: {  	[tilespmem:s3], [sflag:$0x3] =	stream.linear.gather [hbm4b:s4+s3], $0x50, $0x38;
	[tilespmem:$0x18A80] =	vst v63  }
0x3c: {  	_ =	swait.ge [sflag:s18], $0x50  }
0x3d: {  	[sflag:s18] =	ssyncset.done $0x0  }
0x3e: {  	s0 =	sadd.s32 s6, s10;
	[sflag:s18] =	ssyncadd.s32 $0xFFFFFFB0  }
0x3f: {  	[tilespmem:s20], [sflag:$0x3] =	stream.linear.gather [hbm4b:s0+s3], $0x50, $0x38;
	[tilespmem:$0x18A80] =	vst v63  }
0x40: {  	_ =	swait.ge [sflag:s18], $0x50  }
0x41: {  	[sflag:s18] =	ssyncset.done $0x0  }
0x42: {  	[sflag:s18] =	ssyncadd.s32 $0xFFFFFFB0  }
0x43: {  	[tilespmem:s22], [sflag:$0x1] =	stream.indirect.gather [hbm4b:s1+s21], $0x80, s3, s21, $0xb8;
	[tilespmem:$0x18A80] =	vst v63  }
0x44: {  	_ =	swait.ge [sflag:s28], $0x2800  }
0x45: {  	[sflag:s28] =	ssyncset.done $0x0  }
0x46: {  	[sflag:s28] =	ssyncadd.s32 $0xFFFFD800  }
0x47: {  	[spmem:s2] =	stream.indirect.scatter.add.f32 [tilespmem:s25], [sflag:$0x3], $0x80, s24, s21, $0xb8;
	[tilespmem:$0x18A80] =	vst v63  }
0x48: {  	s31 =	simm.s32 $0x14;
	_ =	swait.ge [sflag:s18], $0x2800  }
0x49: {  	s30 =	sadd.s32 $0xA0, s14;
	s0 =	simm.s32 $0x28;
	[sflag:s18] =	ssyncset.done $0x0  }
.LBB2_2:
0x4a: {  	s9 =	sadd.s32 s31, s16  }
0x4b: {  	[sflag:s18] =	ssyncadd.s32 $0xFFFFD800;
	s10 =	smov.u32 s0;
	s4 =	sadd.s32 $0x14, s0  }
0x4c: {  	[tilespmem:s23], [sflag:$0x3] =	stream.linear.gather [hbm4b:s9+s3], $0x50, $0x38;
	[tilespmem:$0x18A80] =	vst v63  }
0x4d: {  	p1 =	sne.s32 s0, $0x4C4;
	_ =	swait.ge [sflag:s18], $0x50  }
0x4e: {  	[sflag:s18] =	ssyncset.done $0x0  }
0x4f: {  	s0 =	sadd.s32 s31, s15;
	s31 =	smov.u32 s10;
	[sflag:s18] =	ssyncadd.s32 $0xFFFFFFB0  }
0x50: {  	[tilespmem:s24], [sflag:$0x3] =	stream.linear.gather [hbm4b:s0+s3], $0x50, $0x38;
	[tilespmem:$0x18A80] =	vst v63  }
0x51: {  	_ =	swait.ge [sflag:s18], $0x50  }
0x52: {  	[sflag:s18] =	ssyncset.done $0x0  }
0x53: {  	[sflag:s18] =	ssyncadd.s32 $0xFFFFFFB0  }
0x54: {  	[tilespmem:s25], [sflag:$0x2] =	stream.indirect.gather [hbm4b:s1+s21], $0x80, s23, s21, $0xb8;
	[tilespmem:$0x18A80] =	vst v63  }
0x55: {  	_ =	swait.ge [sflag:s26], $0x2800  }
0x56: {  	[sflag:s26] =	ssyncset.done $0x0  }
0x57: {  	[sflag:s26] =	ssyncadd.s32 $0xFFFFD800  }
0x58: {  	[spmem:s2] =	stream.indirect.scatter.add.f32 [tilespmem:s22], [sflag:$0x3], $0x80, s20, s21, $0xb8;
	[tilespmem:$0x18A80] =	vst v63  }
0x59: {  	_ =	swait.ge [sflag:s18], $0x2800  }
0x5a: {  	s0 =	sshrl.u32 s30, $0x3;
	[sflag:s18] =	ssyncset.done $0x0  }
0x5b: {  	s9 =	sadd.s32 s5, s0;
	[sflag:s18] =	ssyncadd.s32 $0xFFFFD800  }
0x5c: {  	[tilespmem:s3], [sflag:$0x3] =	stream.linear.gather [hbm4b:s9+s3], $0x50, $0x38;
	[tilespmem:$0x18A80] =	vst v63  }
0x5d: {  	_ =	swait.ge [sflag:s18], $0x50  }
0x5e: {  	[sflag:s18] =	ssyncset.done $0x0  }
0x5f: {  	s0 =	sadd.s32 s6, s0;
	[sflag:s18] =	ssyncadd.s32 $0xFFFFFFB0  }
0x60: {  	[tilespmem:s20], [sflag:$0x3] =	stream.linear.gather [hbm4b:s0+s3], $0x50, $0x38;
	[tilespmem:$0x18A80] =	vst v63  }
0x61: {  	_ =	swait.ge [sflag:s18], $0x50  }
0x62: {  	[sflag:s18] =	ssyncset.done $0x0  }
0x63: {  	[sflag:s18] =	ssyncadd.s32 $0xFFFFFFB0  }
0x64: {  	[tilespmem:s22], [sflag:$0x1] =	stream.indirect.gather [hbm4b:s1+s21], $0x80, s3, s21, $0xb8;
	[tilespmem:$0x18A80] =	vst v63  }
0x65: {  	_ =	swait.ge [sflag:s28], $0x2800  }
.Ltmp0:
0x66: {  	[sflag:s28] =	ssyncset.done $0x0;
	(pc) =	sbr.rel @p1 .LBB2_2-.Ltmp0, $4  }
0x67: {  	[sflag:s28] =	ssyncadd.s32 $0xFFFFD800  }
0x68: {  	[spmem:s2] =	stream.indirect.scatter.add.f32 [tilespmem:s25], [sflag:$0x3], $0x80, s24, s21, $0xb8;
	[tilespmem:$0x18A80] =	vst v63  }
0x69: {  	_ =	swait.ge [sflag:s18], $0x2800  }
0x6a: {  	s30 =	sadd.s32 $0xA0, s30;
	s0 =	smov.u32 s4;
	[sflag:s18] =	ssyncset.done $0x0  }
0x6b: {  	s0 =	sadd.s32 s31, s16;
	[sflag:s18] =	ssyncadd.s32 $0xFFFFD800  }
0x6c: {  	[tilespmem:s23], [sflag:$0x3] =	stream.linear.gather [hbm4b:s0+s3], $0x50, $0x38;
	[tilespmem:$0x18A80] =	vst v63  }
0x6d: {  	_ =	swait.ge [sflag:s18], $0x50  }
0x6e: {  	[sflag:s18] =	ssyncset.done $0x0  }
0x6f: {  	s10 =	sadd.s32 s31, s15;
	[sflag:s18] =	ssyncadd.s32 $0xFFFFFFB0  }
0x70: {  	[tilespmem:s24], [sflag:$0x3] =	stream.linear.gather [hbm4b:s10+s3], $0x50, $0x38;
	[tilespmem:$0x18A80] =	vst v63  }
0x71: {  	_ =	swait.ge [sflag:s18], $0x50  }
0x72: {  	[sflag:s18] =	ssyncset.done $0x0  }
0x73: {  	[sflag:s18] =	ssyncadd.s32 $0xFFFFFFB0  }
0x74: {  	[tilespmem:s25], [sflag:$0x2] =	stream.indirect.gather [hbm4b:s1+s21], $0x80, s23, s21, $0xb8;
	[tilespmem:$0x18A80] =	vst v63  }
0x75: {  	_ =	swait.ge [sflag:s26], $0x2800  }
0x76: {  	[sflag:s26] =	ssyncset.done $0x0  }
0x77: {  	[sflag:s26] =	ssyncadd.s32 $0xFFFFD800  }
0x78: {  	[spmem:s2] =	stream.indirect.scatter.add.f32 [tilespmem:s22], [sflag:$0x3], $0x80, s20, s21, $0xb8;
	[tilespmem:$0x18A80] =	vst v63  }
0x79: {  	_ =	swait.ge [sflag:s18], $0x2800  }
0x7a: {  	s31 =	sshrl.u32 s30, $0x3;
	[sflag:s18] =	ssyncset.done $0x0  }
0x7b: {  	s4 =	sadd.s32 s5, s31;
	[sflag:s18] =	ssyncadd.s32 $0xFFFFD800  }
0x7c: {  	[tilespmem:s3], [sflag:$0x3] =	stream.linear.gather [hbm4b:s4+s3], $0x50, $0x38;
	[tilespmem:$0x18A80] =	vst v63  }
0x7d: {  	_ =	swait.ge [sflag:s18], $0x50  }
0x7e: {  	[sflag:s18] =	ssyncset.done $0x0  }
0x7f: {  	s0 =	sadd.s32 s6, s31;
	[sflag:s18] =	ssyncadd.s32 $0xFFFFFFB0  }
0x80: {  	[tilespmem:s20], [sflag:$0x3] =	stream.linear.gather [hbm4b:s0+s3], $0x50, $0x38;
	[tilespmem:$0x18A80] =	vst v63  }
0x81: {  	_ =	swait.ge [sflag:s18], $0x50  }
0x82: {  	[sflag:s18] =	ssyncset.done $0x0  }
0x83: {  	[sflag:s18] =	ssyncadd.s32 $0xFFFFFFB0  }
0x84: {  	[tilespmem:s22], [sflag:$0x1] =	stream.indirect.gather [hbm4b:s1+s21], $0x80, s3, s21, $0xb8;
	[tilespmem:$0x18A80] =	vst v63  }
0x85: {  	_ =	swait.ge [sflag:s28], $0x2800  }
0x86: {  	[sflag:s28] =	ssyncset.done $0x0  }
0x87: {  	[sflag:s28] =	ssyncadd.s32 $0xFFFFD800  }
0x88: {  	[spmem:s2] =	stream.indirect.scatter.add.f32 [tilespmem:s25], [sflag:$0x3], $0x80, s24, s21, $0xb8;
	[tilespmem:$0x18A80] =	vst v63  }
0x89: {  	_ =	swait.ge [sflag:s18], $0x2800  }
0x8a: {  	[sflag:s18] =	ssyncset.done $0x0  }
0x8b: {  	[sflag:s18] =	ssyncadd.s32 $0xFFFFD800  }
0x8c: {  	_ =	swait.ge [sflag:s26], $0x2800  }
0x8d: {  	[sflag:s26] =	ssyncset.done $0x0  }
0x8e: {  	[sflag:s26] =	ssyncadd.s32 $0xFFFFD800  }
0x8f: {  	[spmem:s2] =	stream.indirect.scatter.add.f32 [tilespmem:s22], [sflag:$0x3], $0x80, s20, s21, $0xb8;
	[tilespmem:$0x18A80] =	vst v63  }
0x90: {  	_ =	swait.ge [sflag:s18], $0x2800  }
0x91: {  	[sflag:s18] =	ssyncset.done $0x0  }
0x92: {  	[sflag:s18] =	ssyncadd.s32 $0xFFFFD800  }
0x93: {  	[bflag:$0x0] =	sbarrier.arrive $0xFFFF  }
0x94: {  	[hbm:s11], [sflag:s8] =	dma.local [spmem:s17], $0x2700  }
0x95: {  	s29 =	sadd.s32 $0x1, s29;
	_ =	swait.ge [sflag:s18], $0x2700  }
0x96: {  	p1 =	sne.s32 s29, s13;
	[sflag:s18] =	ssyncset.done $0x0  }
.Ltmp1:
0x97: {  	s0 =	simm.s32 @!p0 $0x3;
	[sflag:s18] =	ssyncadd.s32 $0xFFFFD900;
	(pc) =	sbr.rel @p1 .LBB2_1-.Ltmp1, $4  }
0x98: {  	[hbm:s12], [sflag:s8] =	dma.local @!p0 [spmem:s19], $0x100  }
0x99: {  	_ =	swait.ge @!p0 [sflag:s0], $0x100  }
0x9a: {  	[sflag:s0] =	ssyncset.done @!p0 $0x0  }
0x9b: {  	[sflag:s0] =	ssyncadd.s32 @!p0 $0xFFFFFF00  }
0x9c: {  	_ =	sfence.sel $0x180000  }
0x9d: {  	[bflag:$0x0] =	sbarrier.arrive $0xFFFF  }
0x9e: {  	_ =	strace $0x90000047  }
0x9f: {  	s0 =	stileid.u32;
	[bflag:$0x2] =	sbarrier.arrive $0xFFFF  }
0xa0: {  	p0 =	sne.s32 s0, $0x0;
	s0 =	rddreg [dreg:$0x3]  }
0xa1: {  	s0 =	sadd.s32 @!p0 $0x100000, s0  }
0xa2: {  	[sflag:s0] =	ssyncadd.tile.s32 @!p0 $0x1;
	_ =	shalt  }
.Lfunc_end2:
_tile_overlayer_lowered:
.L_overlay_start_2:
0xa3: {  	(tag) =	ssettag $0x2  }
0xa4: {  	s0 =	rddreg [dreg:$0x0];
	s2 =	stileid.u32  }
0xa5: {  	s1 =	rddreg [dreg:$0x1];
	p0 =	sne.s32 s2, $0x0  }
0xa6: {  	s3 =	rddreg [dreg:$0x2];
	[bflag:$0x3] =	sbarrier.arrive $0xFFFF;
	s2 =	simm.s32 @!p0 $0x1C03  }
0xa7: {  	[timem:s3], [sflag:s2] =	dma.local @!p0 [hbm:s0], s1  }
0xa8: {  	s0 =	simm.s32 @!p0 $0x3  }
0xa9: {  	_ =	swait.ge @!p0 [sflag:s0], s1  }
0xaa: {  	s1 =	ssub.s32 @!p0 $0x0, s1;
	[sflag:s0] =	ssyncset.done @!p0 $0x0  }
0xab: {  	[sflag:s0] =	ssyncadd.s32 @!p0 s1  }
0xac: {  	[bflag:$0x3] =	sbarrier.arrive $0xFFFF  }
0xad: {  	_ =	shalt  }

// kernel: kernel.13.cloned.1.call-start
scs
__scs_entry_jumppad:
0x0: {  	(pc) =	sbr.rel $0x88, $3  }
0x1: {  	(tag) =	ssettag $0x0;
	lr =	simm.s32 $0x1  }
0x2: {  	[smem:$0x3F99] =	sst lr;
	_ =	strace $0xD0000000  }
0x3: {  	_ = 	snop  }
0x4: {  	_ = 	snop  }
0x5: {  	_ = 	snop  }
0x6: {  	_ = 	snop  }
0x7: {  	_ = 	snop  }
__scs_overlays_trampoline_lowered:
0x8: {  	[smem:$0x3FA8] =	sst s0  }
0x9: {  	[smem:$0x3FA9] =	sst s1  }
0xa: {  	[smem:$0x3FAA] =	sst s2  }
0xb: {  	[smem:$0x3FAB] =	sst s3  }
0xc: {  	[smem:$0x3FAC] =	sst s4  }
0xd: {  	[smem:$0x3FAD] =	sst s5  }
0xe: {  	[smem:$0x3FAE] =	sst s6  }
0xf: {  	[smem:$0x3FAF] =	sst s7  }
0x10: {  	[smem:$0x3FB0] =	sst s8  }
0x11: {  	[smem:$0x3FB1] =	sst s9;
	s0 =	simm.s32 @!p0 $0x0  }
0x12: {  	s1 =	sld [smem:$0x3F97];
	s0 =	simm.s32 @p0 $0x1  }
0x13: {  	[smem:$0x3FB2] =	sst s0;
	s0 =	simm.s32 @!p1 $0x0  }
0x14: {  	s2 =	sld [smem:$0x3F96];
	s0 =	simm.s32 @p1 $0x1  }
0x15: {  	[smem:$0x3FB3] =	sst s0;
	s0 =	simm.s32 @!p2 $0x0  }
0x16: {  	s3 =	sld [smem:$0x3FDB];
	s0 =	simm.s32 @p2 $0x1  }
0x17: {  	s4 =	simm.s32 $0x1BF5;
	[smem:$0x3FB5] =	sst s0  }
0x18: {  	s0 =	sld [smem:$0x3F98];
	_ =	swait.ge [sflag:s4], $0x0  }
0x19: {  	s7 =	sld [smem:$0x3F99]  }
0x1a: {  	s8 =	sadd.s32 $0xFFFFE003, lr  }
0x1b: {  	s9 =	sadd.s32 $0xFFFFFEF7, lr;
	s5 =	simm.s32 $0xFFFFFFFF;
	p2 =	slt.u32 s8, $0xFFFFF086  }
0x1c: {  	p1 =	slt.u32 s9, $0xF7A;
	s5 =	simm.s32 @!p2 $0x0  }
0x1d: {  	s5 =	simm.s32 @p1 $0x1;
	p0 =	seq.s32 s7, s2  }
0x1e: {  	s7 =	smul.u32 @!p0 $0xF7A, s2;
	p2 =	seq.s32 @!p0 s5, $0x0  }
0x1f: {  	s9 =	smul.u32 $0xF7A, s1;
	s8 =	simm.s32 @!p0 $0x1BF5;
	p2 =	por !p2, p0  }
0x20: {  	[sflag:s8] =	ssyncset.s32 @!p0 $0xFFFFF086;
	s6 =	sadd.s32 @!p0 s3, s7;
	s7 =	simm.s32 @!p0 $0x108  }
0x21: {  	s3 =	sadd.s32 s3, s9;
	s6 =	sadd.s32 @!p0 $0x88, s6;
	s7 =	simm.s32 @p2 $0x1082  }
0x22: {  	[simem:s7], [sflag:s8] =	dma.local @!p0 [hbm:s6], $0xF7A  }
0x23: {  	s9 =	sor.u32 $0xD0000000, s2;
	s6 =	simm.s32 $0x108;
	_ =	swait.ge @!p0 [sflag:s8], $0x0  }
0x24: {  	s3 =	sadd.s32 $0x88, s3;
	s6 =	simm.s32 @!p1 $0x1082;
	[sflag:s4] =	ssyncset.s32 $0xFFFFF086  }
0x25: {  	[simem:s6], [sflag:s4] =	dma.local [hbm:s3], $0xF7A  }
0x26: {  	[smem:$0x3F99] =	sst s1;
	(tag) =	ssettag s2;
	_ =	strace s9  }
0x27: {  	s1 =	sld [smem:$0x3FA9]  }
0x28: {  	s2 =	sld [smem:$0x3FAA]  }
0x29: {  	s4 =	sld [smem:$0x3FAC]  }
0x2a: {  	p0 =	seq.s32 s5, $0x0;
	s5 =	sld [smem:$0x3FAD]  }
0x2b: {  	s6 =	sld [smem:$0x3FAE]  }
0x2c: {  	s7 =	sld [smem:$0x3FAF]  }
0x2d: {  	s3 =	simm.s32 $0x108;
	s8 =	sld [smem:$0x3FB0]  }
0x2e: {  	s3 =	simm.s32 @!p0 $0x1082;
	s9 =	sld [smem:$0x3FB1]  }
0x2f: {  	lr =	sadd.s32 s0, s3;
	s0 =	sld [smem:$0x3FA8]  }
0x30: {  	s3 =	sld [smem:$0x3FAB]  }
0x31: {  	[smem:$0x3FB4] =	sst s10  }
0x32: {  	s10 =	sld [smem:$0x3FB2];
	_ =	sdelay $0x3  }
0x33: {  	p0 =	seq.s32 s10, $0x1;
	s10 =	sld [smem:$0x3FB4];
	_ =	sdelay $0x3  }
0x34: {  	[smem:$0x3FB4] =	sst s10  }
0x35: {  	s10 =	sld [smem:$0x3FB3];
	_ =	sdelay $0x3  }
0x36: {  	p1 =	seq.s32 s10, $0x1;
	s10 =	sld [smem:$0x3FB4];
	_ =	sdelay $0x3  }
0x37: {  	[smem:$0x3FB4] =	sst s10  }
0x38: {  	s10 =	sld [smem:$0x3FB5]  }
0x39: {  	_ = 	snop;
	(pc) =	sbr.ind lr, $3  }
0x3a: {  	_ = 	snop  }
0x3b: {  	_ = 	snop  }
0x3c: {  	p2 =	seq.s32 s10, $0x1;
	s10 =	sld [smem:$0x3FB4]  }
0x3d: {  	_ =	shalt  }
0x3e: {  	_ =	shalt  }
0x3f: {  	_ =	shalt  }
0x40: {  	_ =	shalt  }
0x41: {  	_ =	shalt  }
0x42: {  	_ =	shalt  }
0x43: {  	_ =	shalt  }
0x44: {  	_ =	shalt  }
0x45: {  	_ =	shalt  }
0x46: {  	_ =	shalt  }
0x47: {  	_ =	shalt  }
0x48: {  	_ =	shalt  }
0x49: {  	_ =	shalt  }
0x4a: {  	_ =	shalt  }
0x4b: {  	_ =	shalt  }
0x4c: {  	_ =	shalt  }
0x4d: {  	_ =	shalt  }
0x4e: {  	_ =	shalt  }
0x4f: {  	_ =	shalt  }
0x50: {  	_ =	shalt  }
0x51: {  	_ =	shalt  }
0x52: {  	_ =	shalt  }
0x53: {  	_ =	shalt  }
0x54: {  	_ =	shalt  }
0x55: {  	_ =	shalt  }
0x56: {  	_ =	shalt  }
0x57: {  	_ =	shalt  }
0x58: {  	_ =	shalt  }
0x59: {  	_ =	shalt  }
0x5a: {  	_ =	shalt  }
0x5b: {  	_ =	shalt  }
0x5c: {  	_ =	shalt  }
0x5d: {  	_ =	shalt  }
0x5e: {  	_ =	shalt  }
0x5f: {  	_ =	shalt  }
0x60: {  	_ =	shalt  }
0x61: {  	_ =	shalt  }
0x62: {  	_ =	shalt  }
0x63: {  	_ =	shalt  }
0x64: {  	_ =	shalt  }
0x65: {  	_ =	shalt  }
0x66: {  	_ =	shalt  }
0x67: {  	_ =	shalt  }
0x68: {  	_ =	shalt  }
0x69: {  	_ =	shalt  }
0x6a: {  	_ =	shalt  }
0x6b: {  	_ =	shalt  }
0x6c: {  	_ =	shalt  }
0x6d: {  	_ =	shalt  }
0x6e: {  	_ =	shalt  }
0x6f: {  	_ =	shalt  }
0x70: {  	_ =	shalt  }
0x71: {  	_ =	shalt  }
0x72: {  	_ =	shalt  }
0x73: {  	_ =	shalt  }
0x74: {  	_ =	shalt  }
0x75: {  	_ =	shalt  }
0x76: {  	_ =	shalt  }
0x77: {  	_ =	shalt  }
0x78: {  	_ =	shalt  }
0x79: {  	_ =	shalt  }
0x7a: {  	_ =	shalt  }
0x7b: {  	_ =	shalt  }
0x7c: {  	_ =	shalt  }
0x7d: {  	_ =	shalt  }
0x7e: {  	_ =	shalt  }
0x7f: {  	_ =	shalt  }
0x80: {  	_ =	shalt  }
0x81: {  	_ =	shalt  }
0x82: {  	_ =	shalt  }
0x83: {  	_ =	shalt  }
0x84: {  	_ =	shalt  }
0x85: {  	_ =	shalt  }
0x86: {  	_ =	shalt  }
0x87: {  	_ =	shalt  }
.Lfunc_end0:
.L_simem_size_0:
called_computation.2_lowered:
.L_overlay_start_0:
0x88: {  	s2 =	sld [smem:$0x3FD9]  }
0x89: {  	s3 =	sld [smem:$0x3FFE];
	_ =	sdelay $0x1  }
0x8a: {  	s1 =	srdreg.scid  }
0x8b: {  	s0 =	sand.u32 $0x1, s1  }
0x8c: {  	s16 =	sshll.u32 s0, $0xA;
	s2 =	sadd.s32 s3, s2  }
0x8d: {  	s2 =	sadd.s32 s2, s16  }
0x8e: {  	[smem:$0x3FC0] =	sst s2  }
0x8f: {  	_ = 	snop  }
0x90: {  	(tm) =	ssettm $0x1  }
0x91: {  	s17 =	sld [smem:$0x3FFB];
	_ =	sdelay $0x3  }
0x92: {  	_ =	strace s17  }
0x93: {  	s2 =	sld [smem:$0x3FFC];
	_ =	sdelay $0x3  }
0x94: {  	_ =	strace s2  }
0x95: {  	s2 =	sld [smem:$0x3FFD];
	_ =	sdelay $0x3  }
0x96: {  	_ =	strace s2  }
0x97: {  	_ =	strace $0x8FFFFFFF  }
0x98: {  	s18 =	sld [smem:$0x3FDB];
	_ =	sdelay $0x1  }
0x99: {  	s19 =	simm.s32 $_scs_section_size  }
0x9a: {  	s4 =	simm.s32 $_size__tile_overlayer_lowered;
	s5 =	simm.s32 $_tile_overlayer_lowered  }
0x9b: {  	s22 =	simm.s32 $0x1BFF;
	s21 =	sshll.u32 s5, $0x1;
	s2 =	sadd.s32 s19, s18  }
0x9c: {  	s6 =	simm.s32 $0x0;
	s20 =	sshll.u32 s4, $0x1;
	s4 =	sadd.s32 s21, s2  }
0x9d: {  	[timem:s6], [sflag:s22] =	dma.local [hbm:s4], s20  }
0x9e: {  	_ =	swait.ge [sflag:s22], s20  }
0x9f: {  	s3 =	ssub.s32 $0x0, s20;
	[sflag:s22] =	ssyncset.done $0x0  }
0xa0: {  	[sflag:s22] =	ssyncadd.s32 s3;
	_ =	sdelay $0x1  }
0xa1: {  	s23 =	simm.s32 $0x1B8B  }
0xa2: {  	_ =	swait.ge [sflag:s23], $0x1  }
0xa3: {  	[sflag:s23] =	ssyncset.done $0x0  }
0xa4: {  	s25 =	simm.s32 $0x1B8E;
	s24 =	sld [smem:$0x3FFE];
	[sflag:s23] =	ssyncadd.s32 $0xFFFFFFFF  }
0xa5: {  	s26 =	simm.s32 $execute0_lowered;
	[smem:$0x3FD2] =	sst s25  }
0xa6: {  	s4 =	sshll.u32 s26, $0x1;
	_ =	strace $0x8000004C;
	[dreg:$0x1] =	wrdreg $0xFFFFFFFF  }
0xa7: {  	s28 =	simm.s32 $_size_execute0_lowered;
	s2 =	sadd.s32 s2, s4;
	[dreg:$0x0] =	wrdreg $0x0  }
0xa8: {  	s4 =	sshll.u32 s28, $0x1;
	[dreg:$0x2] =	wrdreg s2  }
0xa9: {  	[dreg:$0x3] =	wrdreg s4  }
0xaa: {  	[dreg:$0x4] =	wrdreg $0xC0  }
0xab: {  	_ =	task [dreg:s6], $0x5FFFF  }
0xac: {  	[dreg:$0x1] =	wrdreg $0xFFFFFFFF  }
0xad: {  	[dreg:$0x0] =	wrdreg $0x60  }
0xae: {  	[dreg:$0x2] =	wrdreg s24  }
0xaf: {  	[dreg:$0x3] =	wrdreg $0x52000  }
0xb0: {  	[dreg:$0x4] =	wrdreg $0x9  }
0xb1: {  	_ =	task.clear_ibuf [dreg:s6], $0x5FFFF;
	_ =	strace $0x9000004C  }
0xb2: {  	s29 =	simm.s32 $0x9;
	_ =	strace $0x8000004E  }
0xb3: {  	_ =	swait.ge [sflag:s29], $0x1  }
0xb4: {  	[sflag:s29] =	ssyncadd.s32 $0xFFFFFFFF  }
0xb5: {  	_ =	strace $0x9000004E  }
0xb6: {  	_ =	sfence  }
0xb7: {  	s30 =	sld [smem:$0x0];
	_ =	sdelay $0x2  }
0xb8: {  	s31 =	sshll.u32 s1, $0xD;
	s1 =	sshrl.u32 s1, $0x2  }
0xb9: {  	s3 =	sand.u32 $0x4000, s31;
	s1 =	sadd.s32 s1, s30  }
0xba: {  	s0 =	sor.u32 s3, s0;
	s1 =	sshll.u32 s1, $0x11  }
0xbb: {  	s0 =	sor.u32 s1, s0  }
0xbc: {  	s0 =	sadd.s32 $0x8F2B, s0  }
0xbd: {  	[sflag:s0] =	ssyncadd.remote.s32 $0x1  }
0xbe: {  	_ =	sfence.sel $0xFFFF  }
0xbf: {  	[dreg:$0x0] =	wrdreg $0xFFFFFFFF;
	(pc) =	sbr.abs _section_cstart, $3  }
0xc0: {  	[dreg:$0x1] =	wrdreg $0xFFFFFFFF  }
0xc1: {  	_ =	task.clear_ibuf [dreg:s6], $0x2FFFF;
	_ =	strace $0x9FFFFFFF  }
0xc2: {  	(tm) =	ssettm $0x7FFFFFFF  }
0xc3: {  	_ =	shalt  }
tec
execute0_lowered:
.L_overlay_start_1:
0x0: {  	(tag) =	ssettag $0x1  }
0x1: {  	s0 =	rddreg [dreg:$0x0]  }
0x2: {  	s1 =	rddreg [dreg:$0x1];
	s2 =	simm.s32 $0x0  }
0x3: {  	s4 =	srdreg.scid;
	s18 =	stileid.u32;
	s20 =	simm.s32 $0x80  }
0x4: {  	s28 =	simm.s32 $0x2;
	s29 =	simm.s32 $0x0;
	[smem:$0x7FF] =	sst s2  }
0x5: {  	s3 =	sadd.s32 $0x17600, s0;
	s5 =	sadd.s32 $0xB000, s0;
	s6 =	sadd.s32 $0x1200, s0  }
0x6: {  	s4 =	sand.u32 $0x1, s4;
	s7 =	sadd.s32 $0x14E00, s0;
	s10 =	smul.u32 $0x4E000, s18  }
0x7: {  	s0 =	sadd.s32 $0xB3A00, s0;
	s23 =	sshll.u32 s18, $0x6;
	s14 =	smul.u32 $0x13800, s18  }
0x8: {  	s19 =	sadd.s32 $0x138000, s1;
	s26 =	smul.u32 $0x2710, s18;
	p0 =	sne.s32 s18, $0xF  }
0x9: {  	_ =	strace $0x8000004D;
	s8 =	sshll.u32 s4, $0x4;
	s22 =	smul.u32 $0x138800, s4  }
0xa: {  	s9 =	ssub.s32 $0x2, s4;
	s4 =	smul.u32 $0x27100, s4;
	s19 =	sshrl.u32 @!p0 s19, $0x3  }
0xb: {  	s8 =	sor.u32 s18, s8;
	s11 =	sshrl.u32 s9, $0x1;
	s21 =	sshrl.u32 s10, $0x2  }
0xc: {  	s18 =	simm.s32 $0x3;
	s12 =	smul.u32 $0x2710, s8;
	s13 =	ssub.s32 s9, s11  }
0xd: {  	s17 =	sadd.s32 s21, s1;
	s8 =	sor.u32 $0x1C03, s23;
	s14 =	sadd.s32 s14, s22  }
0xe: {  	s11 =	sshrl.u32 s22, $0x3;
	s4 =	sadd.s32 s26, s4;
	s21 =	simm.s32 $0x50  }
0xf: {  	s22 =	simm.s32 $0x100;
	s23 =	simm.s32 $0x2900;
	s26 =	simm.s32 $0x1  }
0x10: {  	s14 =	sshrl.u32 s14, $0x3;
	s15 =	sadd.s32 s0, s11;
	s31 =	sadd.s32 $0x50, s4  }
0x11: {  	s13 =	smax.u32 s13, $0x1;
	s17 =	sshrl.u32 s17, $0x3;
	s24 =	sshrl.u32 s12, $0x3  }
0x12: {  	s11 =	sadd.s32 s0, s14;
	s12 =	sadd.s32 $0x27000, s15;
	s14 =	sadd.s32 $0xA0, s4  }
0x13: {  	s0 =	sshrl.u32 s31, $0x3;
	s25 =	sadd.s32 s5, s24;
	s30 =	sadd.s32 s6, s24  }
0x14: {  	s15 =	sadd.s32 s0, s6;
	s16 =	sadd.s32 s0, s5;
	[dreg:$0x3] =	wrdreg s25  }
0x15: {  	s24 =	simm.s32 $0x2980;
	[dreg:$0x4] =	wrdreg s30;
	s25 =	simm.s32 $0x2A00  }
.LBB2_1:
0x16: {  	[spmem:s17], [sflag:s8] =	dma.local [hbm:s7], $0x2700  }
0x17: {  	_ =	swait.ge [sflag:s18], $0x2700  }
0x18: {  	[sflag:s18] =	ssyncset.done $0x0  }
0x19: {  	s0 =	simm.s32 @!p0 $0x3;
	[sflag:s18] =	ssyncadd.s32 $0xFFFFD900  }
0x1a: {  	[spmem:s19], [sflag:s8] =	dma.local @!p0 [hbm:s7], $0x100  }
0x1b: {  	_ =	swait.ge @!p0 [sflag:s0], $0x100  }
0x1c: {  	[sflag:s0] =	ssyncset.done @!p0 $0x0  }
0x1d: {  	[sflag:s0] =	ssyncadd.s32 @!p0 $0xFFFFFF00  }
0x1e: {  	[bflag:$0x0] =	sbarrier.arrive $0xFFFF  }
0x1f: {  	s9 =	rddreg [dreg:$0x3]  }
0x20: {  	[tilespmem:s2], [sflag:$0x3] =	stream.linear.gather [hbm4b:s9+s2], $0x50, $0x38;
	[tilespmem:$0x18A80] =	vst v63  }
0x21: {  	_ =	swait.ge [sflag:s18], $0x50  }
0x22: {  	[sflag:s18] =	ssyncset.done $0x0  }
0x23: {  	s10 =	rddreg [dreg:$0x4];
	[sflag:s18] =	ssyncadd.s32 $0xFFFFFFB0  }
0x24: {  	[tilespmem:s20], [sflag:$0x3] =	stream.linear.gather [hbm4b:s10+s2], $0x50, $0x38;
	[tilespmem:$0x18A80] =	vst v63  }
0x25: {  	_ =	swait.ge [sflag:s18], $0x50  }
0x26: {  	[sflag:s18] =	ssyncset.done $0x0  }
0x27: {  	[sflag:s18] =	ssyncadd.s32 $0xFFFFFFB0  }
0x28: {  	[tilespmem:s22], [sflag:$0x1] =	stream.indirect.gather [hbm4b:s3+s21], $0x80, s2, s21, $0xb8;
	[tilespmem:$0x18A80] =	vst v63  }
0x29: {  	s4 =	sadd.s32 $0x0, s16  }
0x2a: {  	[tilespmem:s23], [sflag:$0x3] =	stream.linear.gather [hbm4b:s4+s2], $0x50, $0x38;
	[tilespmem:$0x18A80] =	vst v63  }
0x2b: {  	_ =	swait.ge [sflag:s18], $0x50  }
0x2c: {  	[sflag:s18] =	ssyncset.done $0x0  }
0x2d: {  	s9 =	sadd.s32 $0x0, s15;
	[sflag:s18] =	ssyncadd.s32 $0xFFFFFFB0  }
0x2e: {  	[tilespmem:s24], [sflag:$0x3] =	stream.linear.gather [hbm4b:s9+s2], $0x50, $0x38;
	[tilespmem:$0x18A80] =	vst v63  }
0x2f: {  	_ =	swait.ge [sflag:s18], $0x50  }
0x30: {  	[sflag:s18] =	ssyncset.done $0x0  }
0x31: {  	[sflag:s18] =	ssyncadd.s32 $0xFFFFFFB0  }
0x32: {  	[tilespmem:s25], [sflag:$0x2] =	stream.indirect.gather [hbm4b:s3+s21], $0x80, s23, s21, $0xb8;
	[tilespmem:$0x18A80] =	vst v63  }
0x33: {  	_ =	swait.ge [sflag:s26], $0x2800  }
0x34: {  	[sflag:s26] =	ssyncset.done $0x0  }
0x35: {  	[sflag:s26] =	ssyncadd.s32 $0xFFFFD800  }
0x36: {  	[spmem:s1] =	stream.indirect.scatter.add.f32 [tilespmem:s22], [sflag:$0x3], $0x80, s20, s21, $0xb8;
	[tilespmem:$0x18A80] =	vst v63  }
0x37: {  	_ =	swait.ge [sflag:s18], $0x2800  }
0x38: {  	s10 =	sshrl.u32 s14, $0x3;
	[sflag:s18] =	ssyncset.done $0x0  }
0x39: {  	s4 =	sadd.s32 s5, s10;
	[sflag:s18] =	ssyncadd.s32 $0xFFFFD800  }
0x3a: {  	[tilespmem:s2], [sflag:$0x3] =	stream.linear.gather [hbm4b:s4+s2], $0x50, $0x38;
	[tilespmem:$0x18A80] =	vst v63  }
0x3b: {  	_ =	swait.ge [sflag:s18], $0x50  }
0x3c: {  	[sflag:s18] =	ssyncset.done $0x0  }
0x3d: {  	s0 =	sadd.s32 s6, s10;
	[sflag:s18] =	ssyncadd.s32 $0xFFFFFFB0  }
0x3e: {  	[tilespmem:s20], [sflag:$0x3] =	stream.linear.gather [hbm4b:s0+s2], $0x50, $0x38;
	[tilespmem:$0x18A80] =	vst v63  }
0x3f: {  	_ =	swait.ge [sflag:s18], $0x50  }
0x40: {  	[sflag:s18] =	ssyncset.done $0x0  }
0x41: {  	[sflag:s18] =	ssyncadd.s32 $0xFFFFFFB0  }
0x42: {  	[tilespmem:s22], [sflag:$0x1] =	stream.indirect.gather [hbm4b:s3+s21], $0x80, s2, s21, $0xb8;
	[tilespmem:$0x18A80] =	vst v63  }
0x43: {  	_ =	swait.ge [sflag:s28], $0x2800  }
0x44: {  	[sflag:s28] =	ssyncset.done $0x0  }
0x45: {  	[sflag:s28] =	ssyncadd.s32 $0xFFFFD800  }
0x46: {  	[spmem:s1] =	stream.indirect.scatter.add.f32 [tilespmem:s25], [sflag:$0x3], $0x80, s24, s21, $0xb8;
	[tilespmem:$0x18A80] =	vst v63  }
0x47: {  	s31 =	simm.s32 $0x14;
	_ =	swait.ge [sflag:s18], $0x2800  }
0x48: {  	s30 =	sadd.s32 $0xA0, s14;
	s0 =	simm.s32 $0x28;
	[sflag:s18] =	ssyncset.done $0x0  }
.LBB2_2:
0x49: {  	s9 =	sadd.s32 s31, s16  }
0x4a: {  	[sflag:s18] =	ssyncadd.s32 $0xFFFFD800;
	s10 =	smov.u32 s0;
	s4 =	sadd.s32 $0x14, s0  }
0x4b: {  	[tilespmem:s23], [sflag:$0x3] =	stream.linear.gather [hbm4b:s9+s2], $0x50, $0x38;
	[tilespmem:$0x18A80] =	vst v63  }
0x4c: {  	p1 =	sne.s32 s0, $0x4C4;
	_ =	swait.ge [sflag:s18], $0x50  }
0x4d: {  	[sflag:s18] =	ssyncset.done $0x0  }
0x4e: {  	s0 =	sadd.s32 s31, s15;
	s31 =	smov.u32 s10;
	[sflag:s18] =	ssyncadd.s32 $0xFFFFFFB0  }
0x4f: {  	[tilespmem:s24], [sflag:$0x3] =	stream.linear.gather [hbm4b:s0+s2], $0x50, $0x38;
	[tilespmem:$0x18A80] =	vst v63  }
0x50: {  	_ =	swait.ge [sflag:s18], $0x50  }
0x51: {  	[sflag:s18] =	ssyncset.done $0x0  }
0x52: {  	[sflag:s18] =	ssyncadd.s32 $0xFFFFFFB0  }
0x53: {  	[tilespmem:s25], [sflag:$0x2] =	stream.indirect.gather [hbm4b:s3+s21], $0x80, s23, s21, $0xb8;
	[tilespmem:$0x18A80] =	vst v63  }
0x54: {  	_ =	swait.ge [sflag:s26], $0x2800  }
0x55: {  	[sflag:s26] =	ssyncset.done $0x0  }
0x56: {  	[sflag:s26] =	ssyncadd.s32 $0xFFFFD800  }
0x57: {  	[spmem:s1] =	stream.indirect.scatter.add.f32 [tilespmem:s22], [sflag:$0x3], $0x80, s20, s21, $0xb8;
	[tilespmem:$0x18A80] =	vst v63  }
0x58: {  	_ =	swait.ge [sflag:s18], $0x2800  }
0x59: {  	s0 =	sshrl.u32 s30, $0x3;
	[sflag:s18] =	ssyncset.done $0x0  }
0x5a: {  	s9 =	sadd.s32 s5, s0;
	[sflag:s18] =	ssyncadd.s32 $0xFFFFD800  }
0x5b: {  	[tilespmem:s2], [sflag:$0x3] =	stream.linear.gather [hbm4b:s9+s2], $0x50, $0x38;
	[tilespmem:$0x18A80] =	vst v63  }
0x5c: {  	_ =	swait.ge [sflag:s18], $0x50  }
0x5d: {  	[sflag:s18] =	ssyncset.done $0x0  }
0x5e: {  	s0 =	sadd.s32 s6, s0;
	[sflag:s18] =	ssyncadd.s32 $0xFFFFFFB0  }
0x5f: {  	[tilespmem:s20], [sflag:$0x3] =	stream.linear.gather [hbm4b:s0+s2], $0x50, $0x38;
	[tilespmem:$0x18A80] =	vst v63  }
0x60: {  	_ =	swait.ge [sflag:s18], $0x50  }
0x61: {  	[sflag:s18] =	ssyncset.done $0x0  }
0x62: {  	[sflag:s18] =	ssyncadd.s32 $0xFFFFFFB0  }
0x63: {  	[tilespmem:s22], [sflag:$0x1] =	stream.indirect.gather [hbm4b:s3+s21], $0x80, s2, s21, $0xb8;
	[tilespmem:$0x18A80] =	vst v63  }
0x64: {  	_ =	swait.ge [sflag:s28], $0x2800  }
.Ltmp0:
0x65: {  	[sflag:s28] =	ssyncset.done $0x0;
	(pc) =	sbr.rel @p1 .LBB2_2-.Ltmp0, $4  }
0x66: {  	[sflag:s28] =	ssyncadd.s32 $0xFFFFD800  }
0x67: {  	[spmem:s1] =	stream.indirect.scatter.add.f32 [tilespmem:s25], [sflag:$0x3], $0x80, s24, s21, $0xb8;
	[tilespmem:$0x18A80] =	vst v63  }
0x68: {  	_ =	swait.ge [sflag:s18], $0x2800  }
0x69: {  	s30 =	sadd.s32 $0xA0, s30;
	s0 =	smov.u32 s4;
	[sflag:s18] =	ssyncset.done $0x0  }
0x6a: {  	s0 =	sadd.s32 s31, s16;
	[sflag:s18] =	ssyncadd.s32 $0xFFFFD800  }
0x6b: {  	[tilespmem:s23], [sflag:$0x3] =	stream.linear.gather [hbm4b:s0+s2], $0x50, $0x38;
	[tilespmem:$0x18A80] =	vst v63  }
0x6c: {  	_ =	swait.ge [sflag:s18], $0x50  }
0x6d: {  	[sflag:s18] =	ssyncset.done $0x0  }
0x6e: {  	s10 =	sadd.s32 s31, s15;
	[sflag:s18] =	ssyncadd.s32 $0xFFFFFFB0  }
0x6f: {  	[tilespmem:s24], [sflag:$0x3] =	stream.linear.gather [hbm4b:s10+s2], $0x50, $0x38;
	[tilespmem:$0x18A80] =	vst v63  }
0x70: {  	_ =	swait.ge [sflag:s18], $0x50  }
0x71: {  	[sflag:s18] =	ssyncset.done $0x0  }
0x72: {  	[sflag:s18] =	ssyncadd.s32 $0xFFFFFFB0  }
0x73: {  	[tilespmem:s25], [sflag:$0x2] =	stream.indirect.gather [hbm4b:s3+s21], $0x80, s23, s21, $0xb8;
	[tilespmem:$0x18A80] =	vst v63  }
0x74: {  	_ =	swait.ge [sflag:s26], $0x2800  }
0x75: {  	[sflag:s26] =	ssyncset.done $0x0  }
0x76: {  	[sflag:s26] =	ssyncadd.s32 $0xFFFFD800  }
0x77: {  	[spmem:s1] =	stream.indirect.scatter.add.f32 [tilespmem:s22], [sflag:$0x3], $0x80, s20, s21, $0xb8;
	[tilespmem:$0x18A80] =	vst v63  }
0x78: {  	_ =	swait.ge [sflag:s18], $0x2800  }
0x79: {  	s31 =	sshrl.u32 s30, $0x3;
	[sflag:s18] =	ssyncset.done $0x0  }
0x7a: {  	s4 =	sadd.s32 s5, s31;
	[sflag:s18] =	ssyncadd.s32 $0xFFFFD800  }
0x7b: {  	[tilespmem:s2], [sflag:$0x3] =	stream.linear.gather [hbm4b:s4+s2], $0x50, $0x38;
	[tilespmem:$0x18A80] =	vst v63  }
0x7c: {  	_ =	swait.ge [sflag:s18], $0x50  }
0x7d: {  	[sflag:s18] =	ssyncset.done $0x0  }
0x7e: {  	s0 =	sadd.s32 s6, s31;
	[sflag:s18] =	ssyncadd.s32 $0xFFFFFFB0  }
0x7f: {  	[tilespmem:s20], [sflag:$0x3] =	stream.linear.gather [hbm4b:s0+s2], $0x50, $0x38;
	[tilespmem:$0x18A80] =	vst v63  }
0x80: {  	_ =	swait.ge [sflag:s18], $0x50  }
0x81: {  	[sflag:s18] =	ssyncset.done $0x0  }
0x82: {  	[sflag:s18] =	ssyncadd.s32 $0xFFFFFFB0  }
0x83: {  	[tilespmem:s22], [sflag:$0x1] =	stream.indirect.gather [hbm4b:s3+s21], $0x80, s2, s21, $0xb8;
	[tilespmem:$0x18A80] =	vst v63  }
0x84: {  	_ =	swait.ge [sflag:s28], $0x2800  }
0x85: {  	[sflag:s28] =	ssyncset.done $0x0  }
0x86: {  	[sflag:s28] =	ssyncadd.s32 $0xFFFFD800  }
0x87: {  	[spmem:s1] =	stream.indirect.scatter.add.f32 [tilespmem:s25], [sflag:$0x3], $0x80, s24, s21, $0xb8;
	[tilespmem:$0x18A80] =	vst v63  }
0x88: {  	_ =	swait.ge [sflag:s18], $0x2800  }
0x89: {  	[sflag:s18] =	ssyncset.done $0x0  }
0x8a: {  	[sflag:s18] =	ssyncadd.s32 $0xFFFFD800  }
0x8b: {  	_ =	swait.ge [sflag:s26], $0x2800  }
0x8c: {  	[sflag:s26] =	ssyncset.done $0x0  }
0x8d: {  	[sflag:s26] =	ssyncadd.s32 $0xFFFFD800  }
0x8e: {  	[spmem:s1] =	stream.indirect.scatter.add.f32 [tilespmem:s22], [sflag:$0x3], $0x80, s20, s21, $0xb8;
	[tilespmem:$0x18A80] =	vst v63  }
0x8f: {  	_ =	swait.ge [sflag:s18], $0x2800  }
0x90: {  	[sflag:s18] =	ssyncset.done $0x0  }
0x91: {  	[sflag:s18] =	ssyncadd.s32 $0xFFFFD800  }
0x92: {  	[bflag:$0x0] =	sbarrier.arrive $0xFFFF  }
0x93: {  	[hbm:s11], [sflag:s8] =	dma.local [spmem:s17], $0x2700  }
0x94: {  	s29 =	sadd.s32 $0x1, s29;
	_ =	swait.ge [sflag:s18], $0x2700  }
0x95: {  	p1 =	sne.s32 s29, s13;
	[sflag:s18] =	ssyncset.done $0x0  }
.Ltmp1:
0x96: {  	s0 =	simm.s32 @!p0 $0x3;
	[sflag:s18] =	ssyncadd.s32 $0xFFFFD900;
	(pc) =	sbr.rel @p1 .LBB2_1-.Ltmp1, $4  }
0x97: {  	[hbm:s12], [sflag:s8] =	dma.local @!p0 [spmem:s19], $0x100  }
0x98: {  	_ =	swait.ge @!p0 [sflag:s0], $0x100  }
0x99: {  	[sflag:s0] =	ssyncset.done @!p0 $0x0  }
0x9a: {  	[sflag:s0] =	ssyncadd.s32 @!p0 $0xFFFFFF00  }
0x9b: {  	_ =	sfence.sel $0x180000  }
0x9c: {  	[bflag:$0x0] =	sbarrier.arrive $0xFFFF  }
0x9d: {  	_ =	strace $0x9000004D  }
0x9e: {  	s0 =	stileid.u32;
	[bflag:$0x2] =	sbarrier.arrive $0xFFFF  }
0x9f: {  	p0 =	sne.s32 s0, $0x0;
	s0 =	rddreg [dreg:$0x2]  }
0xa0: {  	s0 =	sadd.s32 @!p0 $0x100000, s0  }
0xa1: {  	[sflag:s0] =	ssyncadd.tile.s32 @!p0 $0x1;
	_ =	shalt  }
.Lfunc_end2:
_tile_overlayer_lowered:
.L_overlay_start_2:
0xa2: {  	(tag) =	ssettag $0x2  }
0xa3: {  	s0 =	rddreg [dreg:$0x0];
	s2 =	stileid.u32  }
0xa4: {  	s1 =	rddreg [dreg:$0x1];
	p0 =	sne.s32 s2, $0x0  }
0xa5: {  	s3 =	rddreg [dreg:$0x2];
	[bflag:$0x3] =	sbarrier.arrive $0xFFFF;
	s2 =	simm.s32 @!p0 $0x1C03  }
0xa6: {  	[timem:s3], [sflag:s2] =	dma.local @!p0 [hbm:s0], s1  }
0xa7: {  	s0 =	simm.s32 @!p0 $0x3  }
0xa8: {  	_ =	swait.ge @!p0 [sflag:s0], s1  }
0xa9: {  	s1 =	ssub.s32 @!p0 $0x0, s1;
	[sflag:s0] =	ssyncset.done @!p0 $0x0  }
0xaa: {  	[sflag:s0] =	ssyncadd.s32 @!p0 s1  }
0xab: {  	[bflag:$0x3] =	sbarrier.arrive $0xFFFF  }
0xac: {  	_ =	shalt  }

// kernel: kernel.7.cloned.1.call-start
scs
__scs_entry_jumppad:
0x0: {  	(pc) =	sbr.rel $0x88, $3  }
0x1: {  	(tag) =	ssettag $0x0;
	lr =	simm.s32 $0x1  }
0x2: {  	[smem:$0x3F99] =	sst lr;
	_ =	strace $0xD0000000  }
0x3: {  	_ = 	snop  }
0x4: {  	_ = 	snop  }
0x5: {  	_ = 	snop  }
0x6: {  	_ = 	snop  }
0x7: {  	_ = 	snop  }
__scs_overlays_trampoline_lowered:
0x8: {  	[smem:$0x3FA8] =	sst s0  }
0x9: {  	[smem:$0x3FA9] =	sst s1  }
0xa: {  	[smem:$0x3FAA] =	sst s2  }
0xb: {  	[smem:$0x3FAB] =	sst s3  }
0xc: {  	[smem:$0x3FAC] =	sst s4  }
0xd: {  	[smem:$0x3FAD] =	sst s5  }
0xe: {  	[smem:$0x3FAE] =	sst s6  }
0xf: {  	[smem:$0x3FAF] =	sst s7  }
0x10: {  	[smem:$0x3FB0] =	sst s8  }
0x11: {  	[smem:$0x3FB1] =	sst s9;
	s0 =	simm.s32 @!p0 $0x0  }
0x12: {  	s1 =	sld [smem:$0x3F97];
	s0 =	simm.s32 @p0 $0x1  }
0x13: {  	[smem:$0x3FB2] =	sst s0;
	s0 =	simm.s32 @!p1 $0x0  }
0x14: {  	s2 =	sld [smem:$0x3F96];
	s0 =	simm.s32 @p1 $0x1  }
0x15: {  	[smem:$0x3FB3] =	sst s0;
	s0 =	simm.s32 @!p2 $0x0  }
0x16: {  	s3 =	sld [smem:$0x3FDB];
	s0 =	simm.s32 @p2 $0x1  }
0x17: {  	s4 =	simm.s32 $0x1BF5;
	[smem:$0x3FB5] =	sst s0  }
0x18: {  	s0 =	sld [smem:$0x3F98];
	_ =	swait.ge [sflag:s4], $0x0  }
0x19: {  	s7 =	sld [smem:$0x3F99]  }
0x1a: {  	s8 =	sadd.s32 $0xFFFFE003, lr  }
0x1b: {  	s9 =	sadd.s32 $0xFFFFFEF7, lr;
	s5 =	simm.s32 $0xFFFFFFFF;
	p2 =	slt.u32 s8, $0xFFFFF086  }
0x1c: {  	p1 =	slt.u32 s9, $0xF7A;
	s5 =	simm.s32 @!p2 $0x0  }
0x1d: {  	s5 =	simm.s32 @p1 $0x1;
	p0 =	seq.s32 s7, s2  }
0x1e: {  	s7 =	smul.u32 @!p0 $0xF7A, s2;
	p2 =	seq.s32 @!p0 s5, $0x0  }
0x1f: {  	s9 =	smul.u32 $0xF7A, s1;
	s8 =	simm.s32 @!p0 $0x1BF5;
	p2 =	por !p2, p0  }
0x20: {  	[sflag:s8] =	ssyncset.s32 @!p0 $0xFFFFF086;
	s6 =	sadd.s32 @!p0 s3, s7;
	s7 =	simm.s32 @!p0 $0x108  }
0x21: {  	s3 =	sadd.s32 s3, s9;
	s6 =	sadd.s32 @!p0 $0x88, s6;
	s7 =	simm.s32 @p2 $0x1082  }
0x22: {  	[simem:s7], [sflag:s8] =	dma.local @!p0 [hbm:s6], $0xF7A  }
0x23: {  	s9 =	sor.u32 $0xD0000000, s2;
	s6 =	simm.s32 $0x108;
	_ =	swait.ge @!p0 [sflag:s8], $0x0  }
0x24: {  	s3 =	sadd.s32 $0x88, s3;
	s6 =	simm.s32 @!p1 $0x1082;
	[sflag:s4] =	ssyncset.s32 $0xFFFFF086  }
0x25: {  	[simem:s6], [sflag:s4] =	dma.local [hbm:s3], $0xF7A  }
0x26: {  	[smem:$0x3F99] =	sst s1;
	(tag) =	ssettag s2;
	_ =	strace s9  }
0x27: {  	s1 =	sld [smem:$0x3FA9]  }
0x28: {  	s2 =	sld [smem:$0x3FAA]  }
0x29: {  	s4 =	sld [smem:$0x3FAC]  }
0x2a: {  	p0 =	seq.s32 s5, $0x0;
	s5 =	sld [smem:$0x3FAD]  }
0x2b: {  	s6 =	sld [smem:$0x3FAE]  }
0x2c: {  	s7 =	sld [smem:$0x3FAF]  }
0x2d: {  	s3 =	simm.s32 $0x108;
	s8 =	sld [smem:$0x3FB0]  }
0x2e: {  	s3 =	simm.s32 @!p0 $0x1082;
	s9 =	sld [smem:$0x3FB1]  }
0x2f: {  	lr =	sadd.s32 s0, s3;
	s0 =	sld [smem:$0x3FA8]  }
0x30: {  	s3 =	sld [smem:$0x3FAB]  }
0x31: {  	[smem:$0x3FB4] =	sst s10  }
0x32: {  	s10 =	sld [smem:$0x3FB2];
	_ =	sdelay $0x3  }
0x33: {  	p0 =	seq.s32 s10, $0x1;
	s10 =	sld [smem:$0x3FB4];
	_ =	sdelay $0x3  }
0x34: {  	[smem:$0x3FB4] =	sst s10  }
0x35: {  	s10 =	sld [smem:$0x3FB3];
	_ =	sdelay $0x3  }
0x36: {  	p1 =	seq.s32 s10, $0x1;
	s10 =	sld [smem:$0x3FB4];
	_ =	sdelay $0x3  }
0x37: {  	[smem:$0x3FB4] =	sst s10  }
0x38: {  	s10 =	sld [smem:$0x3FB5]  }
0x39: {  	_ = 	snop;
	(pc) =	sbr.ind lr, $3  }
0x3a: {  	_ = 	snop  }
0x3b: {  	_ = 	snop  }
0x3c: {  	p2 =	seq.s32 s10, $0x1;
	s10 =	sld [smem:$0x3FB4]  }
0x3d: {  	_ =	shalt  }
0x3e: {  	_ =	shalt  }
0x3f: {  	_ =	shalt  }
0x40: {  	_ =	shalt  }
0x41: {  	_ =	shalt  }
0x42: {  	_ =	shalt  }
0x43: {  	_ =	shalt  }
0x44: {  	_ =	shalt  }
0x45: {  	_ =	shalt  }
0x46: {  	_ =	shalt  }
0x47: {  	_ =	shalt  }
0x48: {  	_ =	shalt  }
0x49: {  	_ =	shalt  }
0x4a: {  	_ =	shalt  }
0x4b: {  	_ =	shalt  }
0x4c: {  	_ =	shalt  }
0x4d: {  	_ =	shalt  }
0x4e: {  	_ =	shalt  }
0x4f: {  	_ =	shalt  }
0x50: {  	_ =	shalt  }
0x51: {  	_ =	shalt  }
0x52: {  	_ =	shalt  }
0x53: {  	_ =	shalt  }
0x54: {  	_ =	shalt  }
0x55: {  	_ =	shalt  }
0x56: {  	_ =	shalt  }
0x57: {  	_ =	shalt  }
0x58: {  	_ =	shalt  }
0x59: {  	_ =	shalt  }
0x5a: {  	_ =	shalt  }
0x5b: {  	_ =	shalt  }
0x5c: {  	_ =	shalt  }
0x5d: {  	_ =	shalt  }
0x5e: {  	_ =	shalt  }
0x5f: {  	_ =	shalt  }
0x60: {  	_ =	shalt  }
0x61: {  	_ =	shalt  }
0x62: {  	_ =	shalt  }
0x63: {  	_ =	shalt  }
0x64: {  	_ =	shalt  }
0x65: {  	_ =	shalt  }
0x66: {  	_ =	shalt  }
0x67: {  	_ =	shalt  }
0x68: {  	_ =	shalt  }
0x69: {  	_ =	shalt  }
0x6a: {  	_ =	shalt  }
0x6b: {  	_ =	shalt  }
0x6c: {  	_ =	shalt  }
0x6d: {  	_ =	shalt  }
0x6e: {  	_ =	shalt  }
0x6f: {  	_ =	shalt  }
0x70: {  	_ =	shalt  }
0x71: {  	_ =	shalt  }
0x72: {  	_ =	shalt  }
0x73: {  	_ =	shalt  }
0x74: {  	_ =	shalt  }
0x75: {  	_ =	shalt  }
0x76: {  	_ =	shalt  }
0x77: {  	_ =	shalt  }
0x78: {  	_ =	shalt  }
0x79: {  	_ =	shalt  }
0x7a: {  	_ =	shalt  }
0x7b: {  	_ =	shalt  }
0x7c: {  	_ =	shalt  }
0x7d: {  	_ =	shalt  }
0x7e: {  	_ =	shalt  }
0x7f: {  	_ =	shalt  }
0x80: {  	_ =	shalt  }
0x81: {  	_ =	shalt  }
0x82: {  	_ =	shalt  }
0x83: {  	_ =	shalt  }
0x84: {  	_ =	shalt  }
0x85: {  	_ =	shalt  }
0x86: {  	_ =	shalt  }
0x87: {  	_ =	shalt  }
.Lfunc_end0:
.L_simem_size_0:
called_computation_lowered:
.L_overlay_start_0:
0x88: {  	s2 =	sld [smem:$0x3FD9]  }
0x89: {  	s3 =	sld [smem:$0x3FFE];
	_ =	sdelay $0x1  }
0x8a: {  	s1 =	srdreg.scid  }
0x8b: {  	s0 =	sand.u32 $0x1, s1  }
0x8c: {  	s17 =	sshll.u32 s0, $0xA;
	s2 =	sadd.s32 s3, s2  }
0x8d: {  	s2 =	sadd.s32 s2, s17  }
0x8e: {  	[smem:$0x3FC0] =	sst s2  }
0x8f: {  	_ = 	snop  }
0x90: {  	s18 =	sld [smem:$0x3FD0];
	(tm) =	ssettm $0x1  }
0x91: {  	s19 =	sld [smem:$0x3FFB];
	_ =	sdelay $0x3  }
0x92: {  	_ =	strace s19  }
0x93: {  	s2 =	sld [smem:$0x3FFC];
	_ =	sdelay $0x3  }
0x94: {  	_ =	strace s2  }
0x95: {  	s2 =	sld [smem:$0x3FFD];
	_ =	sdelay $0x3  }
0x96: {  	_ =	strace s2  }
0x97: {  	_ =	strace $0x8FFFFFFF  }
0x98: {  	s20 =	sld [smem:$0x3FDB];
	_ =	sdelay $0x1  }
0x99: {  	s4 =	simm.s32 $_scs_section_size  }
0x9a: {  	s5 =	simm.s32 $_size__tile_overlayer_lowered;
	s6 =	simm.s32 $_tile_overlayer_lowered  }
0x9b: {  	s7 =	simm.s32 $0x1BFF;
	s21 =	sshll.u32 s6, $0x1;
	s4 =	sadd.s32 s4, s20  }
0x9c: {  	s22 =	simm.s32 $0x0;
	s5 =	sshll.u32 s5, $0x1;
	s6 =	sadd.s32 s21, s4  }
0x9d: {  	[timem:s22], [sflag:s7] =	dma.local [hbm:s6], s5  }
0x9e: {  	_ =	swait.ge [sflag:s7], s5  }
0x9f: {  	s5 =	ssub.s32 $0x0, s5;
	[sflag:s7] =	ssyncset.done $0x0  }
0xa0: {  	[sflag:s7] =	ssyncadd.s32 s5;
	_ =	sdelay $0x1  }
0xa1: {  	s23 =	simm.s32 $0x1B8B  }
0xa2: {  	_ =	swait.ge [sflag:s23], $0x1  }
0xa3: {  	[sflag:s23] =	ssyncset.done $0x0  }
0xa4: {  	[sflag:s23] =	ssyncadd.s32 $0xFFFFFFFF  }
0xa5: {  	s5 =	sld [smem:$0x0]  }
0xa6: {  	s6 =	sand.u32 $0xFFFFFFFE, s1  }
0xa7: {  	p0 =	sne.s32 s1, s6  }
0xa8: {  	s6 =	sshll.u32 @p0 s6, $0xE  }
0xa9: {  	s6 =	sadd.s32 @p0 $0x11B8D, s6;
	s7 =	sshll.u32 @p0 s5, $0x11  }
0xaa: {  	s6 =	sor.u32 @p0 s7, s6  }
0xab: {  	[sflag:s6] =	ssyncadd.remote.s32 @p0 $0x1;
	_ =	sdelay $0x1  }
0xac: {  	s6 =	simm.s32 @p0 $0x1B8D  }
0xad: {  	_ =	swait.eq @p0 [sflag:s6], $0x1  }
0xae: {  	[sflag:s6] =	ssyncadd.s32 @p0 $0xFFFFFFFF  }
0xaf: {  	s7 =	sshll.u32 @!p0 s1, $0xE  }
0xb0: {  	s7 =	sor.u32 @!p0 $0x4000, s7;
	s6 =	simm.s32 @!p0 $0x1B8D  }
0xb1: {  	s5 =	sshll.u32 @!p0 s5, $0x11;
	s7 =	sadd.s32 @!p0 $0x11B8D, s7;
	_ =	swait.eq @!p0 [sflag:s6], $0x1  }
0xb2: {  	s5 =	sor.u32 @!p0 s5, s7;
	[sflag:s6] =	ssyncadd.s32 @!p0 $0xFFFFFFFF  }
0xb3: {  	s25 =	simm.s32 $0x1B8E;
	s24 =	sld [smem:$0x3FFE];
	[sflag:s5] =	ssyncadd.remote.s32 @!p0 $0x1  }
0xb4: {  	s26 =	simm.s32 $execute0_lowered;
	[smem:$0x3FD2] =	sst s25  }
0xb5: {  	s6 =	sshll.u32 s26, $0x1;
	_ =	strace $0x80000049;
	[dreg:$0x1] =	wrdreg $0xFFFFFFFF  }
0xb6: {  	s28 =	simm.s32 $_size_execute0_lowered;
	s4 =	sadd.s32 s4, s6;
	[dreg:$0x0] =	wrdreg $0x0  }
0xb7: {  	s6 =	sshll.u32 s28, $0x1;
	[dreg:$0x2] =	wrdreg s4  }
0xb8: {  	[dreg:$0x3] =	wrdreg s6  }
0xb9: {  	[dreg:$0x4] =	wrdreg $0xC0  }
0xba: {  	_ =	task [dreg:s22], $0x5FFFF  }
0xbb: {  	[dreg:$0x1] =	wrdreg $0xFFFFFFFF  }
0xbc: {  	[dreg:$0x0] =	wrdreg $0x60  }
0xbd: {  	[dreg:$0x2] =	wrdreg s24  }
0xbe: {  	[dreg:$0x3] =	wrdreg s18  }
0xbf: {  	[dreg:$0x4] =	wrdreg $0x29000  }
0xc0: {  	[dreg:$0x5] =	wrdreg $0x9  }
0xc1: {  	_ =	task.clear_ibuf [dreg:s22], $0x6FFFF;
	_ =	strace $0x90000049  }
0xc2: {  	s29 =	simm.s32 $0x9;
	_ =	strace $0x8000004B  }
0xc3: {  	_ =	swait.ge [sflag:s29], $0x1  }
0xc4: {  	[sflag:s29] =	ssyncadd.s32 $0xFFFFFFFF  }
0xc5: {  	_ =	strace $0x9000004B  }
0xc6: {  	_ =	sfence  }
0xc7: {  	s30 =	sld [smem:$0x0];
	_ =	sdelay $0x2  }
0xc8: {  	s31 =	sshll.u32 s1, $0xD;
	s1 =	sshrl.u32 s1, $0x2  }
0xc9: {  	s4 =	sand.u32 $0x4000, s31;
	s1 =	sadd.s32 s1, s30  }
0xca: {  	s0 =	sor.u32 s4, s0;
	s1 =	sshll.u32 s1, $0x11  }
0xcb: {  	s0 =	sor.u32 s1, s0  }
0xcc: {  	s0 =	sadd.s32 $0x8F2B, s0  }
0xcd: {  	[sflag:s0] =	ssyncadd.remote.s32 $0x1  }
0xce: {  	_ =	sfence.sel $0xFFFF  }
0xcf: {  	[dreg:$0x0] =	wrdreg $0xFFFFFFFF;
	(pc) =	sbr.abs _section_cstart, $3  }
0xd0: {  	[dreg:$0x1] =	wrdreg $0xFFFFFFFF  }
0xd1: {  	_ =	task.clear_ibuf [dreg:s22], $0x2FFFF;
	_ =	strace $0x9FFFFFFF  }
0xd2: {  	(tm) =	ssettm $0x7FFFFFFF  }
0xd3: {  	_ =	shalt  }
tec
execute0_lowered:
.L_overlay_start_1:
0x0: {  	(tag) =	ssettag $0x1  }
0x1: {  	s7 =	rddreg [dreg:$0x0]  }
0x2: {  	s1 =	rddreg [dreg:$0x1]  }
0x3: {  	s2 =	rddreg [dreg:$0x2]  }
0x4: {  	s3 =	srdreg.scid;
	s0 =	rddreg [dreg:$0x3]  }
0x5: {  	s4 =	simm.s32 $0x0;
	s8 =	sand.u32 $0x1, s3;
	s3 =	stileid.u32  }
0x6: {  	s18 =	simm.s32 $0x50;
	s19 =	simm.s32 $0x80;
	s11 =	smul.u32 $0x4E000, s3  }
0x7: {  	s20 =	simm.s32 $0x1;
	[smem:$0x7FF] =	sst s4;
	s13 =	smul.u32 $0x138800, s8  }
0x8: {  	s12 =	sadd.s32 $0x65800, s7;
	s16 =	sadd.s32 $0x138000, s2;
	s23 =	smul.u32 $0x13800, s3  }
0x9: {  	s5 =	sshll.u32 s8, $0x4;
	_ =	strace $0x8000004A;
	s25 =	smul.u32 $0x27100, s8  }
0xa: {  	s10 =	ssub.s32 $0x2, s8;
	s24 =	sshll.u32 s3, $0x6;
	s28 =	smul.u32 $0x2710, s3  }
0xb: {  	p0 =	sne.s32 s3, $0xF;
	s6 =	sor.u32 s3, s5;
	s5 =	sadd.s32 $0x1200, s7  }
0xc: {  	s21 =	sshrl.u32 s10, $0x1;
	s16 =	sshrl.u32 @!p0 s16, $0x3;
	s9 =	smul.u32 $0x2710, s6  }
0xd: {  	s6 =	sadd.s32 $0x14E00, s7;
	s14 =	ssub.s32 s10, s21;
	s22 =	sshrl.u32 s11, $0x2  }
0xe: {  	s7 =	sor.u32 $0x1C03, s24;
	s10 =	sadd.s32 s23, s13;
	s13 =	sshrl.u32 s13, $0x3  }
0xf: {  	s17 =	sadd.s32 s28, s25;
	s21 =	simm.s32 $0x2;
	s15 =	sadd.s32 s22, s2  }
0x10: {  	s10 =	sshrl.u32 s10, $0x3;
	s29 =	sadd.s32 s12, s13;
	s30 =	sadd.s32 $0x50, s17  }
0x11: {  	s11 =	smax.u32 s14, $0x1;
	s22 =	simm.s32 $0x0;
	s26 =	sshrl.u32 s9, $0x3  }
0x12: {  	s9 =	sadd.s32 s12, s10;
	s10 =	sadd.s32 $0x27000, s29;
	s31 =	sshrl.u32 s30, $0x3  }
0x13: {  	s12 =	sadd.s32 $0xA0, s17;
	s14 =	sshrl.u32 s15, $0x3;
	s15 =	simm.s32 $0x3  }
0x14: {  	s17 =	simm.s32 $0x100;
	s8 =	sadd.s32 s5, s26;
	s13 =	sadd.s32 s31, s5  }
.LBB2_1:
0x15: {  	[spmem:s14], [sflag:s7] =	dma.local [hbm:s6], $0x2700  }
0x16: {  	_ =	swait.ge [sflag:s15], $0x2700  }
0x17: {  	[sflag:s15] =	ssyncset.done $0x0  }
0x18: {  	s23 =	simm.s32 @!p0 $0x3;
	[sflag:s15] =	ssyncadd.s32 $0xFFFFD900  }
0x19: {  	[spmem:s16], [sflag:s7] =	dma.local @!p0 [hbm:s6], $0x100  }
0x1a: {  	_ =	swait.ge @!p0 [sflag:s23], $0x100  }
0x1b: {  	[sflag:s23] =	ssyncset.done @!p0 $0x0  }
0x1c: {  	[sflag:s23] =	ssyncadd.s32 @!p0 $0xFFFFFF00  }
0x1d: {  	[tilespmem:s17], [sflag:$0x3] =	stream.linear.gather [hbm4b:s1+s4], $0x2800, $0x38;
	[tilespmem:$0x16180] =	vst v63  }
0x1e: {  	_ =	swait.ge [sflag:s15], $0x2800  }
0x1f: {  	[sflag:s15] =	ssyncset.done $0x0  }
0x20: {  	[sflag:s15] =	ssyncadd.s32 $0xFFFFD800  }
0x21: {  	[bflag:$0x0] =	sbarrier.arrive $0xFFFF  }
0x22: {  	[tilespmem:s4], [sflag:$0x3] =	stream.linear.gather [hbm4b:s8+s4], $0x50, $0x38;
	[tilespmem:$0x16180] =	vst v63  }
0x23: {  	_ =	swait.ge [sflag:s15], $0x50  }
0x24: {  	[sflag:s15] =	ssyncset.done $0x0  }
0x25: {  	[sflag:s15] =	ssyncadd.s32 $0xFFFFFFB0  }
0x26: {  	[spmem:s2] =	stream.indirect.scatter.add.f32 [tilespmem:s17], [sflag:$0x1], $0x80, s4, s18, $0xb8;
	[tilespmem:$0x16180] =	vst v63  }
0x27: {  	s30 =	sadd.s32 $0x0, s13  }
0x28: {  	[tilespmem:s19], [sflag:$0x3] =	stream.linear.gather [hbm4b:s30+s4], $0x50, $0x38;
	[tilespmem:$0x16180] =	vst v63  }
0x29: {  	_ =	swait.ge [sflag:s15], $0x50  }
0x2a: {  	[sflag:s15] =	ssyncset.done $0x0  }
0x2b: {  	[sflag:s15] =	ssyncadd.s32 $0xFFFFFFB0  }
0x2c: {  	[spmem:s2] =	stream.indirect.scatter.add.f32 [tilespmem:s17], [sflag:$0x2], $0x80, s19, s18, $0xb8;
	[tilespmem:$0x16180] =	vst v63  }
0x2d: {  	_ =	swait.ge [sflag:s20], $0x2800  }
0x2e: {  	s31 =	sshrl.u32 s12, $0x3;
	[sflag:s20] =	ssyncset.done $0x0  }
0x2f: {  	s23 =	sadd.s32 s5, s31;
	[sflag:s20] =	ssyncadd.s32 $0xFFFFD800  }
0x30: {  	[tilespmem:s4], [sflag:$0x3] =	stream.linear.gather [hbm4b:s23+s4], $0x50, $0x38;
	[tilespmem:$0x16180] =	vst v63  }
0x31: {  	_ =	swait.ge [sflag:s15], $0x50  }
0x32: {  	[sflag:s15] =	ssyncset.done $0x0  }
0x33: {  	[sflag:s15] =	ssyncadd.s32 $0xFFFFFFB0  }
0x34: {  	[spmem:s2] =	stream.indirect.scatter.add.f32 [tilespmem:s17], [sflag:$0x1], $0x80, s4, s18, $0xb8;
	[tilespmem:$0x16180] =	vst v63  }
0x35: {  	s24 =	simm.s32 $0x14;
	_ =	swait.ge [sflag:s21], $0x2800  }
0x36: {  	s25 =	simm.s32 $0x28;
	s23 =	sadd.s32 $0xA0, s12;
	[sflag:s21] =	ssyncset.done $0x0  }
.LBB2_2:
0x37: {  	s26 =	sadd.s32 s24, s13  }
0x38: {  	[sflag:s21] =	ssyncadd.s32 $0xFFFFD800;
	s24 =	smov.u32 s25;
	s28 =	sadd.s32 $0x14, s25  }
0x39: {  	[tilespmem:s19], [sflag:$0x3] =	stream.linear.gather [hbm4b:s26+s4], $0x50, $0x38;
	[tilespmem:$0x16180] =	vst v63  }
0x3a: {  	p1 =	sne.s32 s25, $0x4C4;
	_ =	swait.ge [sflag:s15], $0x50  }
0x3b: {  	[sflag:s15] =	ssyncset.done $0x0  }
0x3c: {  	[sflag:s15] =	ssyncadd.s32 $0xFFFFFFB0  }
0x3d: {  	[spmem:s2] =	stream.indirect.scatter.add.f32 [tilespmem:s17], [sflag:$0x2], $0x80, s19, s18, $0xb8;
	[tilespmem:$0x16180] =	vst v63  }
0x3e: {  	_ =	swait.ge [sflag:s20], $0x2800  }
0x3f: {  	s25 =	sshrl.u32 s23, $0x3;
	[sflag:s20] =	ssyncset.done $0x0  }
0x40: {  	s25 =	sadd.s32 s5, s25;
	[sflag:s20] =	ssyncadd.s32 $0xFFFFD800  }
0x41: {  	[tilespmem:s4], [sflag:$0x3] =	stream.linear.gather [hbm4b:s25+s4], $0x50, $0x38;
	[tilespmem:$0x16180] =	vst v63  }
0x42: {  	_ =	swait.ge [sflag:s15], $0x50  }
.Ltmp0:
0x43: {  	[sflag:s15] =	ssyncset.done $0x0;
	(pc) =	sbr.rel @p1 .LBB2_2-.Ltmp0, $4  }
0x44: {  	[sflag:s15] =	ssyncadd.s32 $0xFFFFFFB0  }
0x45: {  	[spmem:s2] =	stream.indirect.scatter.add.f32 [tilespmem:s17], [sflag:$0x1], $0x80, s4, s18, $0xb8;
	[tilespmem:$0x16180] =	vst v63  }
0x46: {  	_ =	swait.ge [sflag:s21], $0x2800  }
0x47: {  	s23 =	sadd.s32 $0xA0, s23;
	s25 =	smov.u32 s28;
	[sflag:s21] =	ssyncset.done $0x0  }
0x48: {  	s24 =	sadd.s32 s24, s13;
	[sflag:s21] =	ssyncadd.s32 $0xFFFFD800  }
0x49: {  	[tilespmem:s19], [sflag:$0x3] =	stream.linear.gather [hbm4b:s24+s4], $0x50, $0x38;
	[tilespmem:$0x16180] =	vst v63  }
0x4a: {  	_ =	swait.ge [sflag:s15], $0x50  }
0x4b: {  	[sflag:s15] =	ssyncset.done $0x0  }
0x4c: {  	[sflag:s15] =	ssyncadd.s32 $0xFFFFFFB0  }
0x4d: {  	[spmem:s2] =	stream.indirect.scatter.add.f32 [tilespmem:s17], [sflag:$0x2], $0x80, s19, s18, $0xb8;
	[tilespmem:$0x16180] =	vst v63  }
0x4e: {  	_ =	swait.ge [sflag:s20], $0x2800  }
0x4f: {  	s23 =	sshrl.u32 s23, $0x3;
	[sflag:s20] =	ssyncset.done $0x0  }
0x50: {  	s23 =	sadd.s32 s5, s23;
	[sflag:s20] =	ssyncadd.s32 $0xFFFFD800  }
0x51: {  	[tilespmem:s4], [sflag:$0x3] =	stream.linear.gather [hbm4b:s23+s4], $0x50, $0x38;
	[tilespmem:$0x16180] =	vst v63  }
0x52: {  	_ =	swait.ge [sflag:s15], $0x50  }
0x53: {  	[sflag:s15] =	ssyncset.done $0x0  }
0x54: {  	[sflag:s15] =	ssyncadd.s32 $0xFFFFFFB0  }
0x55: {  	[spmem:s2] =	stream.indirect.scatter.add.f32 [tilespmem:s17], [sflag:$0x1], $0x80, s4, s18, $0xb8;
	[tilespmem:$0x16180] =	vst v63  }
0x56: {  	_ =	swait.ge [sflag:s21], $0x2800  }
0x57: {  	[sflag:s21] =	ssyncset.done $0x0  }
0x58: {  	[sflag:s21] =	ssyncadd.s32 $0xFFFFD800  }
0x59: {  	_ =	swait.ge [sflag:s20], $0x2800  }
0x5a: {  	[sflag:s20] =	ssyncset.done $0x0  }
0x5b: {  	[sflag:s20] =	ssyncadd.s32 $0xFFFFD800  }
0x5c: {  	[bflag:$0x0] =	sbarrier.arrive $0xFFFF  }
0x5d: {  	[hbm:s9], [sflag:s7] =	dma.local [spmem:s14], $0x2700  }
0x5e: {  	s22 =	sadd.s32 $0x1, s22;
	_ =	swait.ge [sflag:s15], $0x2700  }
0x5f: {  	p1 =	sne.s32 s22, s11;
	[sflag:s15] =	ssyncset.done $0x0  }
.Ltmp1:
0x60: {  	s23 =	simm.s32 @!p0 $0x3;
	[sflag:s15] =	ssyncadd.s32 $0xFFFFD900;
	(pc) =	sbr.rel @p1 .LBB2_1-.Ltmp1, $4  }
0x61: {  	[hbm:s10], [sflag:s7] =	dma.local @!p0 [spmem:s16], $0x100  }
0x62: {  	_ =	swait.ge @!p0 [sflag:s23], $0x100  }
0x63: {  	[sflag:s23] =	ssyncset.done @!p0 $0x0  }
0x64: {  	[sflag:s23] =	ssyncadd.s32 @!p0 $0xFFFFFF00  }
0x65: {  	_ =	sfence.sel $0x180000  }
0x66: {  	[bflag:$0x0] =	sbarrier.arrive $0xFFFF  }
0x67: {  	p0 =	sne.s32 s3, $0x0;
	_ =	strace $0x9000004A  }
0x68: {  	s0 =	sadd.s32 @!p0 $0x100000, s0;
	[bflag:$0x2] =	sbarrier.arrive $0xFFFF  }
0x69: {  	[sflag:s0] =	ssyncadd.tile.s32 @!p0 $0x1;
	_ =	shalt  }
.Lfunc_end2:
_tile_overlayer_lowered:
.L_overlay_start_2:
0x6a: {  	(tag) =	ssettag $0x2  }
0x6b: {  	s0 =	rddreg [dreg:$0x0];
	s2 =	stileid.u32  }
0x6c: {  	s1 =	rddreg [dreg:$0x1];
	p0 =	sne.s32 s2, $0x0  }
0x6d: {  	s3 =	rddreg [dreg:$0x2];
	[bflag:$0x3] =	sbarrier.arrive $0xFFFF;
	s2 =	simm.s32 @!p0 $0x1C03  }
0x6e: {  	[timem:s3], [sflag:s2] =	dma.local @!p0 [hbm:s0], s1  }
0x6f: {  	s0 =	simm.s32 @!p0 $0x3  }
0x70: {  	_ =	swait.ge @!p0 [sflag:s0], s1  }
0x71: {  	s1 =	ssub.s32 @!p0 $0x0, s1;
	[sflag:s0] =	ssyncset.done @!p0 $0x0  }
0x72: {  	[sflag:s0] =	ssyncadd.s32 @!p0 s1  }
0x73: {  	[bflag:$0x3] =	sbarrier.arrive $0xFFFF  }
0x74: {  	_ =	shalt  }

</sc_bundles>
